<compile_context>
chip_gen: v7x
topology: tpu7x:2x2x1
jax: 0.10.2.dev20260603
libtpu: 0.0.44.dev20260713+nightly
codegen_flags: <defaults>
</compile_context>

<pallas_src>
import functools

import jax
import jax.numpy as jnp
from jax import lax
from jax.experimental import pallas as pl
from jax.experimental.pallas import tpu as pltpu
from jax.experimental.pallas import tpu_sc as plsc

N = 8192
K = 32
KP1 = 33
NSIG = 64
R = 256
RE = 512
NG = 64
GW = N // NG
SLOTS = 24
SIG0, SIG1 = 0.1, 5.0
BIGF = 3.0e38
BIGI = 1 << 30
NW = 32
RPW = N // NW


def _d2_thr_block(xp_ref, xt_ref, d2_ref, gm_ref):
    xb = xp_ref[...]
    xt = xt_ref[...]
    dot = jnp.dot(xb, xt, preferred_element_type=jnp.float32)
    x2r = jnp.sum(xb * xb, axis=1, keepdims=True)
    x2c = jnp.sum(xt * xt, axis=0, keepdims=True)
    d2 = jnp.maximum(x2r + x2c - 2.0 * dot, 0.0)
    colf = lax.broadcasted_iota(jnp.int32, (R, N), 1).astype(jnp.float32)
    d2 = jnp.where(d2 == 0.0, (colf - 8192.0) * (2.0 ** -100), d2)
    d2_ref[...] = d2

    m = d2
    width = N // 2
    while width >= NG:
        m = jnp.minimum(lax.slice(m, (0, 0), (R, width)),
                        lax.slice(m, (0, width), (R, 2 * width)))
        width //= 2
    gm_ref[...] = m


def _thr_block(gm_ref, thr_ref):
    a = gm_ref[...]
    lane = lax.broadcasted_iota(jnp.int32, (N, NG), 1)

    def step(t, carry):
        a, _ = carry
        m = jnp.min(a, axis=1, keepdims=True)
        cand = jnp.where(a == m, lane, BIGI)
        win = jnp.min(cand, axis=1, keepdims=True)
        a = jnp.where(lane == win, BIGF, a)
        return a, m

    _, thr = lax.fori_loop(0, KP1, step, (a, jnp.zeros((N, 1), jnp.float32)))
    thr_ref[...] = jnp.broadcast_to(thr, (N, 16))


def _merge48_16(l0, l1, l2, c0, c1, c2, vs, cs):
    rv = lax.rev(vs, (0,))
    rc = lax.rev(cs, (0,))
    m = l2 <= rv
    nl2 = jnp.where(m, l2, rv)
    nc2 = jnp.where(m, c2, rc)
    nl2, nc2 = plsc.sort_key_val(nl2, nc2)
    rv2 = lax.rev(nl2, (0,))
    rc2 = lax.rev(nc2, (0,))
    m2 = l1 <= rv2
    t1 = jnp.where(m2, l1, rv2)
    tc1 = jnp.where(m2, c1, rc2)
    h1 = jnp.where(m2, rv2, l1)
    hc1 = jnp.where(m2, rc2, c1)
    t1, tc1 = plsc.sort_key_val(t1, tc1)
    h1, hc1 = plsc.sort_key_val(h1, hc1)
    rv3 = lax.rev(t1, (0,))
    rc3 = lax.rev(tc1, (0,))
    m3 = l0 <= rv3
    lo = jnp.where(m3, l0, rv3)
    lc = jnp.where(m3, c0, rc3)
    hi = jnp.where(m3, rv3, l0)
    hc = jnp.where(m3, rc3, c0)
    lo, lc = plsc.sort_key_val(lo, lc)
    hi, hc = plsc.sort_key_val(hi, hc)
    return lo, hi, h1, lc, hc, hc1


def _sc_topk(d2_hbm, thr_hbm, svals_hbm, scols_hbm, rowbuf, thrbuf,
             cbuf, ovbuf, ocbuf, rsem, osem, csem):
    wid = lax.axis_index("s") * 2 + lax.axis_index("c")
    base = wid * RPW
    pltpu.sync_copy(thr_hbm.at[pl.ds(base, RPW), :], thrbuf)

    lane = jnp.arange(16, dtype=jnp.int32)
    lanef = lane.astype(jnp.float32)
    infv = jnp.full((16,), BIGF, jnp.float32) + 0.0 * lanef
    zero16 = jnp.zeros((16,), jnp.int32)

    def in_copy(r):
        return pltpu.make_async_copy(
            d2_hbm.at[pl.ds(base + r, 1), :],
            rowbuf.at[pl.ds(lax.rem(r, 2), 1), pl.ds(0, N)],
            rsem.at[lax.rem(r, 2)])

    def out_copies(r):
        slot = lax.rem(r, 4)
        return (pltpu.make_async_copy(ovbuf.at[pl.ds(slot, 1), :],
                                      svals_hbm.at[pl.ds(base + r, 1), :],
                                      osem.at[slot]),
                pltpu.make_async_copy(ocbuf.at[pl.ds(slot, 1), :],
                                      scols_hbm.at[pl.ds(base + r, 1), :],
                                      csem.at[slot]))

    rowbuf[0, pl.ds(N, 16)] = infv
    rowbuf[1, pl.ds(N, 16)] = infv
    sentinel = jnp.full((16,), N, jnp.int32)
    in_copy(0).start()

    def row_body(r, _):
        @pl.when(r + 1 < RPW)
        def _():
            in_copy(r + 1).start()

        in_copy(r).wait()
        rslot = lax.rem(r, 2)
        rsv = jnp.full((16,), rslot, jnp.int32)
        tv = thrbuf[r, pl.ds(0, 16)]
        for s in range(SLOTS):
            cbuf[pl.ds(s * 16, 16)] = sentinel

        @plsc.parallel_loop(0, N // 16, unroll=16, carry=zero16)
        def cnt_fin(j, cnt):
            v = rowbuf[rslot, pl.ds(j * 16, 16)]
            msk = v <= tv
            addr = jnp.minimum(cnt, SLOTS - 1) * 16 + lane
            colv = jnp.full((16,), j * 16, jnp.int32) + lane
            plsc.store_scatter(cbuf, [addr], colv, mask=msk)
            return cnt + msk.astype(jnp.int32)

        maxc = jnp.minimum(jnp.max(cnt_fin), SLOTS)

        def slot_kv(s):
            cs = cbuf[pl.ds(s * 16, 16)]
            vs = plsc.load_gather(rowbuf, [rsv, cs])
            return plsc.sort_key_val(vs, cs)

        def mbody(s, carry):
            l0, l1, l2, c0, c1, c2 = carry
            vs, cs = slot_kv(s)
            return _merge48_16(l0, l1, l2, c0, c1, c2, vs, cs)

        v0, c0i = slot_kv(0)
        init = (v0, infv, infv, c0i, zero16, zero16)
        l0, l1, l2, c0, c1, c2 = lax.fori_loop(1, maxc, mbody, init)

        @pl.when(r >= 4)
        def _():
            ov, oc = out_copies(r - 4)
            ov.wait()
            oc.wait()

        oslot = lax.rem(r, 4)
        ovbuf[oslot, pl.ds(0, 16)] = l0
        ovbuf[oslot, pl.ds(16, 16)] = l1
        ovbuf[oslot, pl.ds(32, 16)] = l2
        ocbuf[oslot, pl.ds(0, 16)] = c0
        ocbuf[oslot, pl.ds(16, 16)] = c1
        ocbuf[oslot, pl.ds(32, 16)] = c2
        ov, oc = out_copies(r)
        ov.start()
        oc.start()
        return 0

    lax.fori_loop(0, RPW, row_body, 0)
    for t in range(4):
        ov, oc = out_copies(RPW - 4 + t)
        ov.wait()
        oc.wait()


def _emb_block(sv_ref, emb_ref):
    vals_k = lax.slice(sv_ref[...], (0, 1), (RE, KP1))
    sig_i = lax.broadcasted_iota(jnp.int32, (1, 1, NSIG), 2).astype(jnp.float32)
    sig = SIG0 + sig_i * ((SIG1 - SIG0) / (NSIG - 1))
    inv = 0.5 / (sig * sig)
    emb_ref[...] = jnp.exp(-vals_k[:, :, None] * inv)


@jax.jit
def kernel(input_coord):
    x = input_coord.astype(jnp.float32)
    xp = jnp.pad(x, ((0, 0), (0, 5)))
    xt = xp.T

    d2, gm = pl.pallas_call(
        _d2_thr_block,
        grid=(N // R,),
        in_specs=[
            pl.BlockSpec((R, 8), lambda b: (b, 0)),
            pl.BlockSpec((8, N), lambda b: (0, 0)),
        ],
        out_specs=[
            pl.BlockSpec((R, N), lambda b: (b, 0)),
            pl.BlockSpec((R, NG), lambda b: (b, 0)),
        ],
        out_shape=[
            jax.ShapeDtypeStruct((N, N), jnp.float32),
            jax.ShapeDtypeStruct((N, NG), jnp.float32),
        ],
    )(xp, xt)

    thr = pl.pallas_call(
        _thr_block,
        grid=(1,),
        in_specs=[pl.BlockSpec((N, NG), lambda b: (0, 0))],
        out_specs=pl.BlockSpec((N, 16), lambda b: (0, 0)),
        out_shape=jax.ShapeDtypeStruct((N, 16), jnp.float32),
    )(gm)

    mesh = plsc.VectorSubcoreMesh(core_axis_name="c", subcore_axis_name="s")
    sc_call = functools.partial(
        pl.kernel,
        mesh=mesh,
        compiler_params=pltpu.CompilerParams(needs_layout_passes=False),
        out_type=[
            jax.ShapeDtypeStruct((N, 48), jnp.float32),
            jax.ShapeDtypeStruct((N, 48), jnp.int32),
        ],
        scratch_types=[
            pltpu.VMEM((2, N + 16), jnp.float32),
            pltpu.VMEM((RPW, 16), jnp.float32),
            pltpu.VMEM((16 * SLOTS,), jnp.int32),
            pltpu.VMEM((4, 48), jnp.float32),
            pltpu.VMEM((4, 48), jnp.int32),
            pltpu.SemaphoreType.DMA((2,)),
            pltpu.SemaphoreType.DMA((4,)),
            pltpu.SemaphoreType.DMA((4,)),
        ],
    )(_sc_topk)
    svals, scols = sc_call(d2, thr)

    emb = pl.pallas_call(
        _emb_block,
        grid=(N // RE,),
        in_specs=[pl.BlockSpec((RE, 48), lambda b: (b, 0))],
        out_specs=pl.BlockSpec((RE, K, NSIG), lambda b: (b, 0, 0)),
        out_shape=jax.ShapeDtypeStruct((N, K, NSIG), jnp.float32),
    )(svals)

    col = lax.slice(scols, (0, 1), (N, KP1)).reshape(N * K)
    row = jnp.repeat(jnp.arange(N, dtype=jnp.int32), K)
    pairs = jnp.stack([row, col], axis=1).astype(jnp.int16)
    return emb.reshape(1, N * K, NSIG), pairs

# --- scband reference (transcript-rebuilt; emitter-appended) ---
"""Pipeline reference for scband-sparse-edge-embedding-v2-61048665145757 (READ-ONLY COPY).

The authoritative reference and input builder live on the scoring server;
editing this copy changes nothing except your own understanding.
"""

import jax, jax.numpy as jnp
import numpy as np

N_KNN = 32
N_OUT = 64
SIGMA = (0.1, 5.0)


def setup_inputs(seed: int = 0) -> dict:
    key = jax.random.key(seed)
    input_coord = jax.random.normal(key, (8192, 3), dtype=jnp.float32)
    return {"input_coord": input_coord}


def reference(input_coord):
    k = N_KNN
    # module detaches input (no_grad region)
    x = jax.lax.stop_gradient(input_coord)
    g_len = x.shape[0]
    # pairwise euclidean distances (torch.cdist equivalent)
    x2 = jnp.sum(x * x, axis=1)
    d2 = x2[:, None] + x2[None, :] - 2.0 * (x @ x.T)
    d2 = jnp.maximum(d2, 0.0)
    dist = jnp.sqrt(d2)
    # top-(k+1) smallest distances per row, then drop self (first column)
    neg_vals, idx = jax.lax.top_k(-dist, k + 1)
    k_dist = -neg_vals
    k_dist_row = k_dist[:, 1:].reshape(-1)
    k_idx_row = idx[:, 1:].reshape(-1)
    # build [N*k, 2] (row, col) index pairs, int16 like the torch code
    df_idx = jnp.repeat(jnp.arange(g_len, dtype=jnp.int32), k)
    k_idx_row_flat = jnp.stack([df_idx, k_idx_row.astype(jnp.int32)], axis=1).astype(jnp.int16)
    # Gaussian kernel over a linspace of sigmas
    sig = jnp.linspace(SIGMA[0], SIGMA[1], N_OUT, dtype=jnp.float32)
    k_dist_range = jnp.exp(-(k_dist_row[:, None] ** 2) / (2.0 * sig[None, :] ** 2))
    k_dist_range = jnp.where(jnp.isnan(k_dist_range), jnp.zeros_like(k_dist_range), k_dist_range)
    return (k_dist_range[None, :, :], k_idx_row_flat)

if __name__ == "__main__":
    import jax
    _d = setup_inputs()
    print(jax.jit(kernel)(*tuple(_d.values())))

</pallas_src>

<mosaic_0001>
#map = affine_map<(d0, d1) -> (0, 0)>
module attributes {stable_mosaic.version = 14 : i64} {
  func.func @_sc_topk(%arg0: i32, %arg1: i32, %arg2: memref<8192x8192xf32, #tpu.memory_space<hbm>>, %arg3: memref<8192x16xf32, #tpu.memory_space<hbm>>, %arg4: memref<8192x48xf32, #tpu.memory_space<hbm>>, %arg5: memref<8192x48xi32, #tpu.memory_space<hbm>>, %arg6: memref<2x8208xf32, #tpu.memory_space<vmem>>, %arg7: memref<256x16xf32, #tpu.memory_space<vmem>>, %arg8: memref<384xi32, #tpu.memory_space<vmem>>, %arg9: memref<4x48xf32, #tpu.memory_space<vmem>>, %arg10: memref<4x48xi32, #tpu.memory_space<vmem>>, %arg11: memref<2x!tpu.dma_semaphore, #tpu.memory_space<semaphore_mem>>, %arg12: memref<4x!tpu.dma_semaphore, #tpu.memory_space<semaphore_mem>>, %arg13: memref<4x!tpu.dma_semaphore, #tpu.memory_space<semaphore_mem>>) attributes {dimension_semantics = [#tpu.dimension_semantics<core_parallel>, #tpu.dimension_semantics<subcore_parallel>], iteration_bounds = array<i64: 2, 16>, scalar_prefetch = 0 : i64, scratch_operands = 8 : i64, tpu.core_type = #tpu.core_type<sc_vector_subcore>, window_params = [{transform_indices = #map}, {transform_indices = #map}, {transform_indices = #map}, {transform_indices = #map}]} {
    %mul3A = arith.constant 2 : i32
    %mul3A_0 = arith.muli %arg1, %mul3A : i32
    %add3A = arith.addi %mul3A_0, %arg0 : i32
    %mul3A_1 = arith.constant 256 : i32
    %mul3A_2 = arith.muli %add3A, %mul3A_1 : i32
    "tpu.region"() ({
      %run_scoped3A = tpu.sem_alloc : memref<!tpu.dma_semaphore, #tpu.memory_space<semaphore_mem>>
      %dma_start3A_148 = arith.constant 0 : i32
      %dma_start3A_149 = tpu.memref_slice %arg3[%mul3A_2, %dma_start3A_148] : memref<8192x16xf32, #tpu.memory_space<hbm>> -> memref<256x16xf32, #tpu.memory_space<hbm>>
      %dma_start3A_150 = arith.constant 0 : i32
      %dma_start3A_151 = tpu.memref_slice %arg3[%mul3A_2, %dma_start3A_150] : memref<8192x16xf32, #tpu.memory_space<hbm>> -> memref<256x16xf32, #tpu.memory_space<hbm>>
      tpu.enqueue_dma source(%dma_start3A_151 : memref<256x16xf32, #tpu.memory_space<hbm>>) target(%arg7 : memref<256x16xf32, #tpu.memory_space<vmem>>) target_semaphore(%run_scoped3A : memref<!tpu.dma_semaphore, #tpu.memory_space<semaphore_mem>>)
      %dma_wait3A_152 = arith.constant 0 : i32
      %dma_wait3A_153 = tpu.memref_slice %arg3[%mul3A_2, %dma_wait3A_152] : memref<8192x16xf32, #tpu.memory_space<hbm>> -> memref<256x16xf32, #tpu.memory_space<hbm>>
      %dma_wait3A_154 = arith.constant 0 : i32
      %dma_wait3A_155 = tpu.memref_slice %arg3[%mul3A_2, %dma_wait3A_154] : memref<8192x16xf32, #tpu.memory_space<hbm>> -> memref<256x16xf32, #tpu.memory_space<hbm>>
      tpu.wait_dma2 semaphore(%run_scoped3A : memref<!tpu.dma_semaphore, #tpu.memory_space<semaphore_mem>>) src(%dma_wait3A_155 : memref<256x16xf32, #tpu.memory_space<hbm>>) dst(%arg7 : memref<256x16xf32, #tpu.memory_space<vmem>>)
      tpu.yield
    }) : () -> ()
    %iota3A = tpu.iota {dimensions = array<i32: 0>} : vector<16xi32>
    %convert_element_type3A = arith.sitofp %iota3A : vector<16xi32> to vector<16xf32>
    %broadcast_in_dim3A = arith.constant 3.000000e+38 : f32
    %broadcast_in_dim3A_3 = vector.broadcast %broadcast_in_dim3A : f32 to vector<16xf32>
    %mul3A_4 = arith.constant 0.000000e+00 : f32
    %mul3A_5 = vector.broadcast %mul3A_4 : f32 to vector<16xf32>
    %mul3A_6 = arith.mulf %mul3A_5, %convert_element_type3A : vector<16xf32>
    %add3A_7 = arith.addf %broadcast_in_dim3A_3, %mul3A_6 : vector<16xf32>
    %broadcast_in_dim3A_8 = arith.constant 0 : i32
    %broadcast_in_dim3A_9 = vector.broadcast %broadcast_in_dim3A_8 : i32 to vector<16xi32>
    %swap3A = arith.constant 0 : i32
    %swap3A_10 = arith.index_cast %swap3A : i32 to index
    %swap3A_11 = arith.constant 8192 : index
    %swap3A_12 = tpu.vector_load %arg6[%swap3A_10, %swap3A_11] {strides = array<i32>} : memref<2x8208xf32, #tpu.memory_space<vmem>>, vector<16xf32>,
    tpu.vector_store %arg6[%swap3A_10, %swap3A_11], %add3A_7 {strides = array<i32>} : memref<2x8208xf32, #tpu.memory_space<vmem>>, vector<16xf32>,
    %swap3A_13 = arith.constant 1 : i32
    %swap3A_14 = arith.index_cast %swap3A_13 : i32 to index
    %swap3A_15 = arith.constant 8192 : index
    %swap3A_16 = tpu.vector_load %arg6[%swap3A_14, %swap3A_15] {strides = array<i32>} : memref<2x8208xf32, #tpu.memory_space<vmem>>, vector<16xf32>,
    tpu.vector_store %arg6[%swap3A_14, %swap3A_15], %add3A_7 {strides = array<i32>} : memref<2x8208xf32, #tpu.memory_space<vmem>>, vector<16xf32>,
    %broadcast_in_dim3A_17 = arith.constant 8192 : i32
    %broadcast_in_dim3A_18 = vector.broadcast %broadcast_in_dim3A_17 : i32 to vector<16xi32>
    %add3A_19 = arith.constant 0 : i32
    %add3A_20 = arith.addi %mul3A_2, %add3A_19 : i32
    %rem3A = arith.constant 0 : i32
    %rem3A_21 = arith.constant 2 : i32
    %rem3A_22 = arith.remsi %rem3A, %rem3A_21 : i32
    %rem3A_23 = arith.constant 0 : i32
    %rem3A_24 = arith.constant 2 : i32
    %rem3A_25 = arith.remsi %rem3A_23, %rem3A_24 : i32
    %dma_start3A = arith.constant 0 : i32
    %dma_start3A_26 = tpu.memref_slice %arg6[%rem3A_22, %dma_start3A] : memref<2x8208xf32, #tpu.memory_space<vmem>> -> memref<1x8192xf32, #tpu.memory_space<vmem>>
    %dma_start3A_27 = arith.constant 0 : i32
    %dma_start3A_28 = tpu.memref_slice %arg2[%add3A_20, %dma_start3A_27] : memref<8192x8192xf32, #tpu.memory_space<hbm>> -> memref<1x8192xf32, #tpu.memory_space<hbm>>
    %dma_start3A_29 = tpu.memref_slice %arg11[%rem3A_25] : memref<2x!tpu.dma_semaphore, #tpu.memory_space<semaphore_mem>> -> memref<1x!tpu.dma_semaphore, #tpu.memory_space<semaphore_mem>>
    %dma_start3A_30 = tpu.memref_squeeze %dma_start3A_29 : memref<1x!tpu.dma_semaphore, #tpu.memory_space<semaphore_mem>> -> memref<!tpu.dma_semaphore, #tpu.memory_space<semaphore_mem>>
    %dma_start3A_31 = arith.constant 0 : i32
    %dma_start3A_32 = tpu.memref_slice %arg6[%rem3A_22, %dma_start3A_31] : memref<2x8208xf32, #tpu.memory_space<vmem>> -> memref<1x8192xf32, #tpu.memory_space<vmem>>
    %dma_start3A_33 = arith.constant 0 : i32
    %dma_start3A_34 = tpu.memref_slice %arg2[%add3A_20, %dma_start3A_33] : memref<8192x8192xf32, #tpu.memory_space<hbm>> -> memref<1x8192xf32, #tpu.memory_space<hbm>>
    tpu.enqueue_dma source(%dma_start3A_34 : memref<1x8192xf32, #tpu.memory_space<hbm>>) target(%dma_start3A_32 : memref<1x8192xf32, #tpu.memory_space<vmem>>) target_semaphore(%dma_start3A_30 : memref<!tpu.dma_semaphore, #tpu.memory_space<semaphore_mem>>)
    %scan3A = arith.constant 0 : i32
    %scan3A_35 = arith.constant 0 : i32
    %scan3A_36 = arith.constant 256 : i32
    %scan3A_37 = arith.addi %scan3A_35, %scan3A_36 : i32
    %scan3A_38 = arith.constant 1 : i32
    %scan3A_39 = scf.for %scan3A_148 = %scan3A_35 to %scan3A_37 step %scan3A_38 iter_args(%scan3A_149 = %scan3A) -> (i32)  : i32 {
      %add3A_150 = arith.constant 1 : i32
      %add3A_151 = arith.addi %scan3A_148, %add3A_150 : i32
      %lt3A = arith.constant 256 : i32
      %lt3A_152 = arith.cmpi slt, %add3A_151, %lt3A : i32
      %convert_element_type3A_153 = arith.extui %lt3A_152 : i1 to i32
      %cond3A = arith.constant 0 : i32
      %cond3A_154 = arith.cmpi ne, %convert_element_type3A_153, %cond3A : i32
      scf.if %cond3A_154 {
        %add3A_298 = arith.constant 1 : i32
        %add3A_299 = arith.addi %scan3A_148, %add3A_298 : i32
        %add3A_300 = arith.addi %mul3A_2, %add3A_299 : i32
        %rem3A_301 = arith.constant 2 : i32
        %rem3A_302 = arith.remsi %add3A_299, %rem3A_301 : i32
        %rem3A_303 = arith.constant 2 : i32
        %rem3A_304 = arith.remsi %add3A_299, %rem3A_303 : i32
        %dma_start3A_305 = arith.constant 0 : i32
        %dma_start3A_306 = tpu.memref_slice %arg6[%rem3A_302, %dma_start3A_305] : memref<2x8208xf32, #tpu.memory_space<vmem>> -> memref<1x8192xf32, #tpu.memory_space<vmem>>
        %dma_start3A_307 = arith.constant 0 : i32
        %dma_start3A_308 = tpu.memref_slice %arg2[%add3A_300, %dma_start3A_307] : memref<8192x8192xf32, #tpu.memory_space<hbm>> -> memref<1x8192xf32, #tpu.memory_space<hbm>>
        %dma_start3A_309 = tpu.memref_slice %arg11[%rem3A_304] : memref<2x!tpu.dma_semaphore, #tpu.memory_space<semaphore_mem>> -> memref<1x!tpu.dma_semaphore, #tpu.memory_space<semaphore_mem>>
        %dma_start3A_310 = tpu.memref_squeeze %dma_start3A_309 : memref<1x!tpu.dma_semaphore, #tpu.memory_space<semaphore_mem>> -> memref<!tpu.dma_semaphore, #tpu.memory_space<semaphore_mem>>
        %dma_start3A_311 = arith.constant 0 : i32
        %dma_start3A_312 = tpu.memref_slice %arg6[%rem3A_302, %dma_start3A_311] : memref<2x8208xf32, #tpu.memory_space<vmem>> -> memref<1x8192xf32, #tpu.memory_space<vmem>>
        %dma_start3A_313 = arith.constant 0 : i32
        %dma_start3A_314 = tpu.memref_slice %arg2[%add3A_300, %dma_start3A_313] : memref<8192x8192xf32, #tpu.memory_space<hbm>> -> memref<1x8192xf32, #tpu.memory_space<hbm>>
        tpu.enqueue_dma source(%dma_start3A_314 : memref<1x8192xf32, #tpu.memory_space<hbm>>) target(%dma_start3A_312 : memref<1x8192xf32, #tpu.memory_space<vmem>>) target_semaphore(%dma_start3A_310 : memref<!tpu.dma_semaphore, #tpu.memory_space<semaphore_mem>>)
      } else {
      }
      %add3A_155 = arith.addi %mul3A_2, %scan3A_148 : i32
      %rem3A_156 = arith.constant 2 : i32
      %rem3A_157 = arith.remsi %scan3A_148, %rem3A_156 : i32
      %rem3A_158 = arith.constant 2 : i32
      %rem3A_159 = arith.remsi %scan3A_148, %rem3A_158 : i32
      %dma_wait3A_160 = arith.constant 0 : i32
      %dma_wait3A_161 = tpu.memref_slice %arg6[%rem3A_157, %dma_wait3A_160] : memref<2x8208xf32, #tpu.memory_space<vmem>> -> memref<1x8192xf32, #tpu.memory_space<vmem>>
      %dma_wait3A_162 = arith.constant 0 : i32
      %dma_wait3A_163 = tpu.memref_slice %arg2[%add3A_155, %dma_wait3A_162] : memref<8192x8192xf32, #tpu.memory_space<hbm>> -> memref<1x8192xf32, #tpu.memory_space<hbm>>
      %dma_wait3A_164 = tpu.memref_slice %arg11[%rem3A_159] : memref<2x!tpu.dma_semaphore, #tpu.memory_space<semaphore_mem>> -> memref<1x!tpu.dma_semaphore, #tpu.memory_space<semaphore_mem>>
      %dma_wait3A_165 = tpu.memref_squeeze %dma_wait3A_164 : memref<1x!tpu.dma_semaphore, #tpu.memory_space<semaphore_mem>> -> memref<!tpu.dma_semaphore, #tpu.memory_space<semaphore_mem>>
      %dma_wait3A_166 = arith.constant 0 : i32
      %dma_wait3A_167 = tpu.memref_slice %arg6[%rem3A_157, %dma_wait3A_166] : memref<2x8208xf32, #tpu.memory_space<vmem>> -> memref<1x8192xf32, #tpu.memory_space<vmem>>
      %dma_wait3A_168 = arith.constant 0 : i32
      %dma_wait3A_169 = tpu.memref_slice %arg2[%add3A_155, %dma_wait3A_168] : memref<8192x8192xf32, #tpu.memory_space<hbm>> -> memref<1x8192xf32, #tpu.memory_space<hbm>>
      tpu.wait_dma2 semaphore(%dma_wait3A_165 : memref<!tpu.dma_semaphore, #tpu.memory_space<semaphore_mem>>) src(%dma_wait3A_169 : memref<1x8192xf32, #tpu.memory_space<hbm>>) dst(%dma_wait3A_167 : memref<1x8192xf32, #tpu.memory_space<vmem>>)
      %rem3A_170 = arith.constant 2 : i32
      %rem3A_171 = arith.remsi %scan3A_148, %rem3A_170 : i32
      %broadcast_in_dim3A_172 = vector.broadcast %rem3A_171 : i32 to vector<16xi32>
      %get3A = arith.index_cast %scan3A_148 : i32 to index
      %get3A_173 = arith.constant 0 : index
      %get3A_174 = tpu.vector_load %arg7[%get3A, %get3A_173] {strides = array<i32>} : memref<256x16xf32, #tpu.memory_space<vmem>>, vector<16xf32>,
      %swap3A_175 = arith.constant 0 : index
      %swap3A_176 = tpu.vector_load %arg8[%swap3A_175] {strides = array<i32>} : memref<384xi32, #tpu.memory_space<vmem>>, vector<16xi32>,
      tpu.vector_store %arg8[%swap3A_175], %broadcast_in_dim3A_18 {strides = array<i32>} : memref<384xi32, #tpu.memory_space<vmem>>, vector<16xi32>,
      %swap3A_177 = arith.constant 16 : index
      %swap3A_178 = tpu.vector_load %arg8[%swap3A_177] {strides = array<i32>} : memref<384xi32, #tpu.memory_space<vmem>>, vector<16xi32>,
      tpu.vector_store %arg8[%swap3A_177], %broadcast_in_dim3A_18 {strides = array<i32>} : memref<384xi32, #tpu.memory_space<vmem>>, vector<16xi32>,
      %swap3A_179 = arith.constant 32 : index
      %swap3A_180 = tpu.vector_load %arg8[%swap3A_179] {strides = array<i32>} : memref<384xi32, #tpu.memory_space<vmem>>, vector<16xi32>,
      tpu.vector_store %arg8[%swap3A_179], %broadcast_in_dim3A_18 {strides = array<i32>} : memref<384xi32, #tpu.memory_space<vmem>>, vector<16xi32>,
      %swap3A_181 = arith.constant 48 : index
      %swap3A_182 = tpu.vector_load %arg8[%swap3A_181] {strides = array<i32>} : memref<384xi32, #tpu.memory_space<vmem>>, vector<16xi32>,
      tpu.vector_store %arg8[%swap3A_181], %broadcast_in_dim3A_18 {strides = array<i32>} : memref<384xi32, #tpu.memory_space<vmem>>, vector<16xi32>,
      %swap3A_183 = arith.constant 64 : index
      %swap3A_184 = tpu.vector_load %arg8[%swap3A_183] {strides = array<i32>} : memref<384xi32, #tpu.memory_space<vmem>>, vector<16xi32>,
      tpu.vector_store %arg8[%swap3A_183], %broadcast_in_dim3A_18 {strides = array<i32>} : memref<384xi32, #tpu.memory_space<vmem>>, vector<16xi32>,
      %swap3A_185 = arith.constant 80 : index
      %swap3A_186 = tpu.vector_load %arg8[%swap3A_185] {strides = array<i32>} : memref<384xi32, #tpu.memory_space<vmem>>, vector<16xi32>,
      tpu.vector_store %arg8[%swap3A_185], %broadcast_in_dim3A_18 {strides = array<i32>} : memref<384xi32, #tpu.memory_space<vmem>>, vector<16xi32>,
      %swap3A_187 = arith.constant 96 : index
      %swap3A_188 = tpu.vector_load %arg8[%swap3A_187] {strides = array<i32>} : memref<384xi32, #tpu.memory_space<vmem>>, vector<16xi32>,
      tpu.vector_store %arg8[%swap3A_187], %broadcast_in_dim3A_18 {strides = array<i32>} : memref<384xi32, #tpu.memory_space<vmem>>, vector<16xi32>,
      %swap3A_189 = arith.constant 112 : index
      %swap3A_190 = tpu.vector_load %arg8[%swap3A_189] {strides = array<i32>} : memref<384xi32, #tpu.memory_space<vmem>>, vector<16xi32>,
      tpu.vector_store %arg8[%swap3A_189], %broadcast_in_dim3A_18 {strides = array<i32>} : memref<384xi32, #tpu.memory_space<vmem>>, vector<16xi32>,
      %swap3A_191 = arith.constant 128 : index
      %swap3A_192 = tpu.vector_load %arg8[%swap3A_191] {strides = array<i32>} : memref<384xi32, #tpu.memory_space<vmem>>, vector<16xi32>,
      tpu.vector_store %arg8[%swap3A_191], %broadcast_in_dim3A_18 {strides = array<i32>} : memref<384xi32, #tpu.memory_space<vmem>>, vector<16xi32>,
      %swap3A_193 = arith.constant 144 : index
      %swap3A_194 = tpu.vector_load %arg8[%swap3A_193] {strides = array<i32>} : memref<384xi32, #tpu.memory_space<vmem>>, vector<16xi32>,
      tpu.vector_store %arg8[%swap3A_193], %broadcast_in_dim3A_18 {strides = array<i32>} : memref<384xi32, #tpu.memory_space<vmem>>, vector<16xi32>,
      %swap3A_195 = arith.constant 160 : index
      %swap3A_196 = tpu.vector_load %arg8[%swap3A_195] {strides = array<i32>} : memref<384xi32, #tpu.memory_space<vmem>>, vector<16xi32>,
      tpu.vector_store %arg8[%swap3A_195], %broadcast_in_dim3A_18 {strides = array<i32>} : memref<384xi32, #tpu.memory_space<vmem>>, vector<16xi32>,
      %swap3A_197 = arith.constant 176 : index
      %swap3A_198 = tpu.vector_load %arg8[%swap3A_197] {strides = array<i32>} : memref<384xi32, #tpu.memory_space<vmem>>, vector<16xi32>,
      tpu.vector_store %arg8[%swap3A_197], %broadcast_in_dim3A_18 {strides = array<i32>} : memref<384xi32, #tpu.memory_space<vmem>>, vector<16xi32>,
      %swap3A_199 = arith.constant 192 : index
      %swap3A_200 = tpu.vector_load %arg8[%swap3A_199] {strides = array<i32>} : memref<384xi32, #tpu.memory_space<vmem>>, vector<16xi32>,
      tpu.vector_store %arg8[%swap3A_199], %broadcast_in_dim3A_18 {strides = array<i32>} : memref<384xi32, #tpu.memory_space<vmem>>, vector<16xi32>,
      %swap3A_201 = arith.constant 208 : index
      %swap3A_202 = tpu.vector_load %arg8[%swap3A_201] {strides = array<i32>} : memref<384xi32, #tpu.memory_space<vmem>>, vector<16xi32>,
      tpu.vector_store %arg8[%swap3A_201], %broadcast_in_dim3A_18 {strides = array<i32>} : memref<384xi32, #tpu.memory_space<vmem>>, vector<16xi32>,
      %swap3A_203 = arith.constant 224 : index
      %swap3A_204 = tpu.vector_load %arg8[%swap3A_203] {strides = array<i32>} : memref<384xi32, #tpu.memory_space<vmem>>, vector<16xi32>,
      tpu.vector_store %arg8[%swap3A_203], %broadcast_in_dim3A_18 {strides = array<i32>} : memref<384xi32, #tpu.memory_space<vmem>>, vector<16xi32>,
      %swap3A_205 = arith.constant 240 : index
      %swap3A_206 = tpu.vector_load %arg8[%swap3A_205] {strides = array<i32>} : memref<384xi32, #tpu.memory_space<vmem>>, vector<16xi32>,
      tpu.vector_store %arg8[%swap3A_205], %broadcast_in_dim3A_18 {strides = array<i32>} : memref<384xi32, #tpu.memory_space<vmem>>, vector<16xi32>,
      %swap3A_207 = arith.constant 256 : index
      %swap3A_208 = tpu.vector_load %arg8[%swap3A_207] {strides = array<i32>} : memref<384xi32, #tpu.memory_space<vmem>>, vector<16xi32>,
      tpu.vector_store %arg8[%swap3A_207], %broadcast_in_dim3A_18 {strides = array<i32>} : memref<384xi32, #tpu.memory_space<vmem>>, vector<16xi32>,
      %swap3A_209 = arith.constant 272 : index
      %swap3A_210 = tpu.vector_load %arg8[%swap3A_209] {strides = array<i32>} : memref<384xi32, #tpu.memory_space<vmem>>, vector<16xi32>,
      tpu.vector_store %arg8[%swap3A_209], %broadcast_in_dim3A_18 {strides = array<i32>} : memref<384xi32, #tpu.memory_space<vmem>>, vector<16xi32>,
      %swap3A_211 = arith.constant 288 : index
      %swap3A_212 = tpu.vector_load %arg8[%swap3A_211] {strides = array<i32>} : memref<384xi32, #tpu.memory_space<vmem>>, vector<16xi32>,
      tpu.vector_store %arg8[%swap3A_211], %broadcast_in_dim3A_18 {strides = array<i32>} : memref<384xi32, #tpu.memory_space<vmem>>, vector<16xi32>,
      %swap3A_213 = arith.constant 304 : index
      %swap3A_214 = tpu.vector_load %arg8[%swap3A_213] {strides = array<i32>} : memref<384xi32, #tpu.memory_space<vmem>>, vector<16xi32>,
      tpu.vector_store %arg8[%swap3A_213], %broadcast_in_dim3A_18 {strides = array<i32>} : memref<384xi32, #tpu.memory_space<vmem>>, vector<16xi32>,
      %swap3A_215 = arith.constant 320 : index
      %swap3A_216 = tpu.vector_load %arg8[%swap3A_215] {strides = array<i32>} : memref<384xi32, #tpu.memory_space<vmem>>, vector<16xi32>,
      tpu.vector_store %arg8[%swap3A_215], %broadcast_in_dim3A_18 {strides = array<i32>} : memref<384xi32, #tpu.memory_space<vmem>>, vector<16xi32>,
      %swap3A_217 = arith.constant 336 : index
      %swap3A_218 = tpu.vector_load %arg8[%swap3A_217] {strides = array<i32>} : memref<384xi32, #tpu.memory_space<vmem>>, vector<16xi32>,
      tpu.vector_store %arg8[%swap3A_217], %broadcast_in_dim3A_18 {strides = array<i32>} : memref<384xi32, #tpu.memory_space<vmem>>, vector<16xi32>,
      %swap3A_219 = arith.constant 352 : index
      %swap3A_220 = tpu.vector_load %arg8[%swap3A_219] {strides = array<i32>} : memref<384xi32, #tpu.memory_space<vmem>>, vector<16xi32>,
      tpu.vector_store %arg8[%swap3A_219], %broadcast_in_dim3A_18 {strides = array<i32>} : memref<384xi32, #tpu.memory_space<vmem>>, vector<16xi32>,
      %swap3A_221 = arith.constant 368 : index
      %swap3A_222 = tpu.vector_load %arg8[%swap3A_221] {strides = array<i32>} : memref<384xi32, #tpu.memory_space<vmem>>, vector<16xi32>,
      tpu.vector_store %arg8[%swap3A_221], %broadcast_in_dim3A_18 {strides = array<i32>} : memref<384xi32, #tpu.memory_space<vmem>>, vector<16xi32>,
      %parallel_loop3A = arith.constant 0 : i32
      %parallel_loop3A_223 = arith.constant 512 : i32
      %parallel_loop3A_224 = arith.constant 1 : i32
      %parallel_loop3A_225 = scf.for %parallel_loop3A_298 = %parallel_loop3A to %parallel_loop3A_223 step %parallel_loop3A_224 iter_args(%parallel_loop3A_299 = %broadcast_in_dim3A_9) -> (vector<16xi32>)  : i32 {
        %parallel_loop3A_300 = arith.constant 16 : i32
        %parallel_loop3A_301 = arith.muli %parallel_loop3A_298, %parallel_loop3A_300 : i32
        %parallel_loop3A_302 = arith.index_cast %rem3A_171 : i32 to index
        %parallel_loop3A_303 = arith.index_cast %parallel_loop3A_301 : i32 to index
        %parallel_loop3A_304 = tpu.vector_load %arg6[%parallel_loop3A_302, %parallel_loop3A_303] {strides = array<i32>} : memref<2x8208xf32, #tpu.memory_space<vmem>>, vector<16xf32>,
        %parallel_loop3A_305 = arith.cmpf ole, %parallel_loop3A_304, %get3A_174 : vector<16xf32>
        %parallel_loop3A_306 = arith.constant 23 : i32
        %parallel_loop3A_307 = vector.broadcast %parallel_loop3A_306 : i32 to vector<16xi32>
        %parallel_loop3A_308 = arith.minsi %parallel_loop3A_299, %parallel_loop3A_307 : vector<16xi32>
        %parallel_loop3A_309 = arith.constant 16 : i32
        %parallel_loop3A_310 = vector.broadcast %parallel_loop3A_309 : i32 to vector<16xi32>
        %parallel_loop3A_311 = arith.muli %parallel_loop3A_308, %parallel_loop3A_310 : vector<16xi32>
        %parallel_loop3A_312 = arith.addi %parallel_loop3A_311, %iota3A : vector<16xi32>
        %parallel_loop3A_313 = arith.constant 16 : i32
        %parallel_loop3A_314 = arith.muli %parallel_loop3A_298, %parallel_loop3A_313 : i32
        %parallel_loop3A_315 = vector.broadcast %parallel_loop3A_314 : i32 to vector<16xi32>
        %parallel_loop3A_316 = arith.addi %parallel_loop3A_315, %iota3A : vector<16xi32>
        tpu.vector_store_idx %arg8[%parallel_loop3A_312], %parallel_loop3A_316 masked %parallel_loop3A_305 : memref<384xi32, #tpu.memory_space<vmem>>[vector<16xi32>], vector<16xi32>, vector<16xi1>
        %parallel_loop3A_317 = arith.extui %parallel_loop3A_305 : vector<16xi1> to vector<16xi32>
        %parallel_loop3A_318 = arith.addi %parallel_loop3A_299, %parallel_loop3A_317 : vector<16xi32>
        scf.yield %parallel_loop3A_318 : vector<16xi32>
      } {sc.loop_unroll_factor = 16 : i64, sc.parallel_access}
      %reduce_max3A = arith.constant true
      %reduce_max3A_226 = vector.broadcast %reduce_max3A : i1 to vector<16xi1>
      %reduce_max3A_227 = arith.constant -2147483648 : i32
      %reduce_max3A_228 = vector.broadcast %reduce_max3A_227 : i32 to vector<16xi32>
      %reduce_max3A_229 = arith.xori %parallel_loop3A_225, %reduce_max3A_228 : vector<16xi32>
      %reduce_max3A_230 = tpu.scan <max>, %reduce_max3A_229 masked %reduce_max3A_226 : vector<16xi32>, vector<16xi1> -> vector<16xi32>
      %reduce_max3A_231 = arith.xori %reduce_max3A_230, %reduce_max3A_228 : vector<16xi32>
      %reduce_max3A_232 = vector.extract %reduce_max3A_231[15] : i32 from vector<16xi32>
      %min3A = arith.constant 24 : i32
      %min3A_233 = arith.minsi %reduce_max3A_232, %min3A : i32
      %get3A_234 = arith.constant 0 : index
      %get3A_235 = tpu.vector_load %arg8[%get3A_234] {strides = array<i32>} : memref<384xi32, #tpu.memory_space<vmem>>, vector<16xi32>,
      %gather3A = tpu.vector_load_idx %arg6[%broadcast_in_dim3A_172, %get3A_235] : memref<2x8208xf32, #tpu.memory_space<vmem>>[vector<16xi32>, vector<16xi32>], vector<16xf32>,
      %masked_sort3A = arith.constant dense<true> : vector<16xi1>
      %masked_sort3A_236, %masked_sort3A_237, %masked_sort3A_238 = tpu.sort %gather3A, %get3A_235 masked %masked_sort3A : (vector<16xf32>, vector<16xi32>, vector<16xi1>) -> (vector<16xi1>, vector<16xf32>, vector<16xi32>)
      %while3A = arith.constant 1 : i32
      %while3A_239 = arith.subi %min3A_233, %while3A : i32
      %while3A_240 = arith.addi %while3A, %while3A_239 : i32
      %while3A_241 = arith.constant 1 : i32
      %while3A_242 = arith.divsi %while3A_239, %while3A_241 : i32
      %while3A_243 = arith.muli %while3A_242, %while3A_241 : i32
      %while3A_244 = arith.addi %while3A, %while3A_243 : i32
      %while3A_245 = arith.constant 1 : i32
      %while3A_246:6 = scf.for %while3A_298 = %while3A to %while3A_244 step %while3A_245 iter_args(%while3A_299 = %masked_sort3A_237, %while3A_300 = %add3A_7, %while3A_301 = %add3A_7, %while3A_302 = %masked_sort3A_238, %while3A_303 = %broadcast_in_dim3A_9, %while3A_304 = %broadcast_in_dim3A_9) -> (vector<16xf32>, vector<16xf32>, vector<16xf32>, vector<16xi32>, vector<16xi32>, vector<16xi32>)  : i32 {
        %mul3A_305 = arith.constant 16 : i32
        %mul3A_306 = arith.muli %while3A_298, %mul3A_305 : i32
        %get3A_307 = arith.index_cast %mul3A_306 : i32 to index
        %get3A_308 = tpu.vector_load %arg8[%get3A_307] {strides = array<i32>} : memref<384xi32, #tpu.memory_space<vmem>>, vector<16xi32>,
        %gather3A_309 = tpu.vector_load_idx %arg6[%broadcast_in_dim3A_172, %get3A_308] : memref<2x8208xf32, #tpu.memory_space<vmem>>[vector<16xi32>, vector<16xi32>], vector<16xf32>,
        %masked_sort3A_310 = arith.constant dense<true> : vector<16xi1>
        %masked_sort3A_311, %masked_sort3A_312, %masked_sort3A_313 = tpu.sort %gather3A_309, %get3A_308 masked %masked_sort3A_310 : (vector<16xf32>, vector<16xi32>, vector<16xi1>) -> (vector<16xi1>, vector<16xf32>, vector<16xi32>)
        %rev3A = arith.constant 15 : i32
        %rev3A_314 = vector.broadcast %rev3A : i32 to vector<16xi32>
        %rev3A_315 = tpu.iota {dimensions = array<i32: 0>} : vector<16xi32>
        %rev3A_316 = arith.subi %rev3A_314, %rev3A_315 : vector<16xi32>
        %rev3A_317 = tpu.dynamic_gather %masked_sort3A_312[%rev3A_316] in [0] : vector<16xf32>, vector<16xi32> -> vector<16xf32>
        %rev3A_318 = arith.constant 15 : i32
        %rev3A_319 = vector.broadcast %rev3A_318 : i32 to vector<16xi32>
        %rev3A_320 = tpu.iota {dimensions = array<i32: 0>} : vector<16xi32>
        %rev3A_321 = arith.subi %rev3A_319, %rev3A_320 : vector<16xi32>
        %rev3A_322 = tpu.dynamic_gather %masked_sort3A_313[%rev3A_321] in [0] : vector<16xi32>, vector<16xi32> -> vector<16xi32>
        %le3A = arith.cmpf ole, %while3A_301, %rev3A_317 : vector<16xf32>
        %select_n3A = arith.select %le3A, %while3A_301, %rev3A_317 : vector<16xi1>, vector<16xf32>
        %select_n3A_323 = arith.select %le3A, %while3A_304, %rev3A_322 : vector<16xi1>, vector<16xi32>
        %masked_sort3A_324 = arith.constant dense<true> : vector<16xi1>
        %masked_sort3A_325, %masked_sort3A_326, %masked_sort3A_327 = tpu.sort %select_n3A, %select_n3A_323 masked %masked_sort3A_324 : (vector<16xf32>, vector<16xi32>, vector<16xi1>) -> (vector<16xi1>, vector<16xf32>, vector<16xi32>)
        %rev3A_328 = arith.constant 15 : i32
        %rev3A_329 = vector.broadcast %rev3A_328 : i32 to vector<16xi32>
        %rev3A_330 = tpu.iota {dimensions = array<i32: 0>} : vector<16xi32>
        %rev3A_331 = arith.subi %rev3A_329, %rev3A_330 : vector<16xi32>
        %rev3A_332 = tpu.dynamic_gather %masked_sort3A_326[%rev3A_331] in [0] : vector<16xf32>, vector<16xi32> -> vector<16xf32>
        %rev3A_333 = arith.constant 15 : i32
        %rev3A_334 = vector.broadcast %rev3A_333 : i32 to vector<16xi32>
        %rev3A_335 = tpu.iota {dimensions = array<i32: 0>} : vector<16xi32>
        %rev3A_336 = arith.subi %rev3A_334, %rev3A_335 : vector<16xi32>
        %rev3A_337 = tpu.dynamic_gather %masked_sort3A_327[%rev3A_336] in [0] : vector<16xi32>, vector<16xi32> -> vector<16xi32>
        %le3A_338 = arith.cmpf ole, %while3A_300, %rev3A_332 : vector<16xf32>
        %select_n3A_339 = arith.select %le3A_338, %while3A_300, %rev3A_332 : vector<16xi1>, vector<16xf32>
        %select_n3A_340 = arith.select %le3A_338, %while3A_303, %rev3A_337 : vector<16xi1>, vector<16xi32>
        %select_n3A_341 = arith.select %le3A_338, %rev3A_332, %while3A_300 : vector<16xi1>, vector<16xf32>
        %select_n3A_342 = arith.select %le3A_338, %rev3A_337, %while3A_303 : vector<16xi1>, vector<16xi32>
        %masked_sort3A_343 = arith.constant dense<true> : vector<16xi1>
        %masked_sort3A_344, %masked_sort3A_345, %masked_sort3A_346 = tpu.sort %select_n3A_339, %select_n3A_340 masked %masked_sort3A_343 : (vector<16xf32>, vector<16xi32>, vector<16xi1>) -> (vector<16xi1>, vector<16xf32>, vector<16xi32>)
        %masked_sort3A_347 = arith.constant dense<true> : vector<16xi1>
        %masked_sort3A_348, %masked_sort3A_349, %masked_sort3A_350 = tpu.sort %select_n3A_341, %select_n3A_342 masked %masked_sort3A_347 : (vector<16xf32>, vector<16xi32>, vector<16xi1>) -> (vector<16xi1>, vector<16xf32>, vector<16xi32>)
        %rev3A_351 = arith.constant 15 : i32
        %rev3A_352 = vector.broadcast %rev3A_351 : i32 to vector<16xi32>
        %rev3A_353 = tpu.iota {dimensions = array<i32: 0>} : vector<16xi32>
        %rev3A_354 = arith.subi %rev3A_352, %rev3A_353 : vector<16xi32>
        %rev3A_355 = tpu.dynamic_gather %masked_sort3A_345[%rev3A_354] in [0] : vector<16xf32>, vector<16xi32> -> vector<16xf32>
        %rev3A_356 = arith.constant 15 : i32
        %rev3A_357 = vector.broadcast %rev3A_356 : i32 to vector<16xi32>
        %rev3A_358 = tpu.iota {dimensions = array<i32: 0>} : vector<16xi32>
        %rev3A_359 = arith.subi %rev3A_357, %rev3A_358 : vector<16xi32>
        %rev3A_360 = tpu.dynamic_gather %masked_sort3A_346[%rev3A_359] in [0] : vector<16xi32>, vector<16xi32> -> vector<16xi32>
        %le3A_361 = arith.cmpf ole, %while3A_299, %rev3A_355 : vector<16xf32>
        %select_n3A_362 = arith.select %le3A_361, %while3A_299, %rev3A_355 : vector<16xi1>, vector<16xf32>
        %select_n3A_363 = arith.select %le3A_361, %while3A_302, %rev3A_360 : vector<16xi1>, vector<16xi32>
        %select_n3A_364 = arith.select %le3A_361, %rev3A_355, %while3A_299 : vector<16xi1>, vector<16xf32>
        %select_n3A_365 = arith.select %le3A_361, %rev3A_360, %while3A_302 : vector<16xi1>, vector<16xi32>
        %masked_sort3A_366 = arith.constant dense<true> : vector<16xi1>
        %masked_sort3A_367, %masked_sort3A_368, %masked_sort3A_369 = tpu.sort %select_n3A_362, %select_n3A_363 masked %masked_sort3A_366 : (vector<16xf32>, vector<16xi32>, vector<16xi1>) -> (vector<16xi1>, vector<16xf32>, vector<16xi32>)
        %masked_sort3A_370 = arith.constant dense<true> : vector<16xi1>
        %masked_sort3A_371, %masked_sort3A_372, %masked_sort3A_373 = tpu.sort %select_n3A_364, %select_n3A_365 masked %masked_sort3A_370 : (vector<16xf32>, vector<16xi32>, vector<16xi1>) -> (vector<16xi1>, vector<16xf32>, vector<16xi32>)
        scf.yield %masked_sort3A_368, %masked_sort3A_372, %masked_sort3A_349, %masked_sort3A_369, %masked_sort3A_373, %masked_sort3A_350 : vector<16xf32>, vector<16xf32>, vector<16xf32>, vector<16xi32>, vector<16xi32>, vector<16xi32>
      }
      %while3A_247 = arith.constant 1 : i32
      %while3A_248:6 = scf.for %while3A_298 = %while3A_244 to %while3A_240 step %while3A_247 iter_args(%while3A_299 = %while3A_246#0, %while3A_300 = %while3A_246#1, %while3A_301 = %while3A_246#2, %while3A_302 = %while3A_246#3, %while3A_303 = %while3A_246#4, %while3A_304 = %while3A_246#5) -> (vector<16xf32>, vector<16xf32>, vector<16xf32>, vector<16xi32>, vector<16xi32>, vector<16xi32>)  : i32 {
        %mul3A_305 = arith.constant 16 : i32
        %mul3A_306 = arith.muli %while3A_298, %mul3A_305 : i32
        %get3A_307 = arith.index_cast %mul3A_306 : i32 to index
        %get3A_308 = tpu.vector_load %arg8[%get3A_307] {strides = array<i32>} : memref<384xi32, #tpu.memory_space<vmem>>, vector<16xi32>,
        %gather3A_309 = tpu.vector_load_idx %arg6[%broadcast_in_dim3A_172, %get3A_308] : memref<2x8208xf32, #tpu.memory_space<vmem>>[vector<16xi32>, vector<16xi32>], vector<16xf32>,
        %masked_sort3A_310 = arith.constant dense<true> : vector<16xi1>
        %masked_sort3A_311, %masked_sort3A_312, %masked_sort3A_313 = tpu.sort %gather3A_309, %get3A_308 masked %masked_sort3A_310 : (vector<16xf32>, vector<16xi32>, vector<16xi1>) -> (vector<16xi1>, vector<16xf32>, vector<16xi32>)
        %rev3A = arith.constant 15 : i32
        %rev3A_314 = vector.broadcast %rev3A : i32 to vector<16xi32>
        %rev3A_315 = tpu.iota {dimensions = array<i32: 0>} : vector<16xi32>
        %rev3A_316 = arith.subi %rev3A_314, %rev3A_315 : vector<16xi32>
        %rev3A_317 = tpu.dynamic_gather %masked_sort3A_312[%rev3A_316] in [0] : vector<16xf32>, vector<16xi32> -> vector<16xf32>
        %rev3A_318 = arith.constant 15 : i32
        %rev3A_319 = vector.broadcast %rev3A_318 : i32 to vector<16xi32>
        %rev3A_320 = tpu.iota {dimensions = array<i32: 0>} : vector<16xi32>
        %rev3A_321 = arith.subi %rev3A_319, %rev3A_320 : vector<16xi32>
        %rev3A_322 = tpu.dynamic_gather %masked_sort3A_313[%rev3A_321] in [0] : vector<16xi32>, vector<16xi32> -> vector<16xi32>
        %le3A = arith.cmpf ole, %while3A_301, %rev3A_317 : vector<16xf32>
        %select_n3A = arith.select %le3A, %while3A_301, %rev3A_317 : vector<16xi1>, vector<16xf32>
        %select_n3A_323 = arith.select %le3A, %while3A_304, %rev3A_322 : vector<16xi1>, vector<16xi32>
        %masked_sort3A_324 = arith.constant dense<true> : vector<16xi1>
        %masked_sort3A_325, %masked_sort3A_326, %masked_sort3A_327 = tpu.sort %select_n3A, %select_n3A_323 masked %masked_sort3A_324 : (vector<16xf32>, vector<16xi32>, vector<16xi1>) -> (vector<16xi1>, vector<16xf32>, vector<16xi32>)
        %rev3A_328 = arith.constant 15 : i32
        %rev3A_329 = vector.broadcast %rev3A_328 : i32 to vector<16xi32>
        %rev3A_330 = tpu.iota {dimensions = array<i32: 0>} : vector<16xi32>
        %rev3A_331 = arith.subi %rev3A_329, %rev3A_330 : vector<16xi32>
        %rev3A_332 = tpu.dynamic_gather %masked_sort3A_326[%rev3A_331] in [0] : vector<16xf32>, vector<16xi32> -> vector<16xf32>
        %rev3A_333 = arith.constant 15 : i32
        %rev3A_334 = vector.broadcast %rev3A_333 : i32 to vector<16xi32>
        %rev3A_335 = tpu.iota {dimensions = array<i32: 0>} : vector<16xi32>
        %rev3A_336 = arith.subi %rev3A_334, %rev3A_335 : vector<16xi32>
        %rev3A_337 = tpu.dynamic_gather %masked_sort3A_327[%rev3A_336] in [0] : vector<16xi32>, vector<16xi32> -> vector<16xi32>
        %le3A_338 = arith.cmpf ole, %while3A_300, %rev3A_332 : vector<16xf32>
        %select_n3A_339 = arith.select %le3A_338, %while3A_300, %rev3A_332 : vector<16xi1>, vector<16xf32>
        %select_n3A_340 = arith.select %le3A_338, %while3A_303, %rev3A_337 : vector<16xi1>, vector<16xi32>
        %select_n3A_341 = arith.select %le3A_338, %rev3A_332, %while3A_300 : vector<16xi1>, vector<16xf32>
        %select_n3A_342 = arith.select %le3A_338, %rev3A_337, %while3A_303 : vector<16xi1>, vector<16xi32>
        %masked_sort3A_343 = arith.constant dense<true> : vector<16xi1>
        %masked_sort3A_344, %masked_sort3A_345, %masked_sort3A_346 = tpu.sort %select_n3A_339, %select_n3A_340 masked %masked_sort3A_343 : (vector<16xf32>, vector<16xi32>, vector<16xi1>) -> (vector<16xi1>, vector<16xf32>, vector<16xi32>)
        %masked_sort3A_347 = arith.constant dense<true> : vector<16xi1>
        %masked_sort3A_348, %masked_sort3A_349, %masked_sort3A_350 = tpu.sort %select_n3A_341, %select_n3A_342 masked %masked_sort3A_347 : (vector<16xf32>, vector<16xi32>, vector<16xi1>) -> (vector<16xi1>, vector<16xf32>, vector<16xi32>)
        %rev3A_351 = arith.constant 15 : i32
        %rev3A_352 = vector.broadcast %rev3A_351 : i32 to vector<16xi32>
        %rev3A_353 = tpu.iota {dimensions = array<i32: 0>} : vector<16xi32>
        %rev3A_354 = arith.subi %rev3A_352, %rev3A_353 : vector<16xi32>
        %rev3A_355 = tpu.dynamic_gather %masked_sort3A_345[%rev3A_354] in [0] : vector<16xf32>, vector<16xi32> -> vector<16xf32>
        %rev3A_356 = arith.constant 15 : i32
        %rev3A_357 = vector.broadcast %rev3A_356 : i32 to vector<16xi32>
        %rev3A_358 = tpu.iota {dimensions = array<i32: 0>} : vector<16xi32>
        %rev3A_359 = arith.subi %rev3A_357, %rev3A_358 : vector<16xi32>
        %rev3A_360 = tpu.dynamic_gather %masked_sort3A_346[%rev3A_359] in [0] : vector<16xi32>, vector<16xi32> -> vector<16xi32>
        %le3A_361 = arith.cmpf ole, %while3A_299, %rev3A_355 : vector<16xf32>
        %select_n3A_362 = arith.select %le3A_361, %while3A_299, %rev3A_355 : vector<16xi1>, vector<16xf32>
        %select_n3A_363 = arith.select %le3A_361, %while3A_302, %rev3A_360 : vector<16xi1>, vector<16xi32>
        %select_n3A_364 = arith.select %le3A_361, %rev3A_355, %while3A_299 : vector<16xi1>, vector<16xf32>
        %select_n3A_365 = arith.select %le3A_361, %rev3A_360, %while3A_302 : vector<16xi1>, vector<16xi32>
        %masked_sort3A_366 = arith.constant dense<true> : vector<16xi1>
        %masked_sort3A_367, %masked_sort3A_368, %masked_sort3A_369 = tpu.sort %select_n3A_362, %select_n3A_363 masked %masked_sort3A_366 : (vector<16xf32>, vector<16xi32>, vector<16xi1>) -> (vector<16xi1>, vector<16xf32>, vector<16xi32>)
        %masked_sort3A_370 = arith.constant dense<true> : vector<16xi1>
        %masked_sort3A_371, %masked_sort3A_372, %masked_sort3A_373 = tpu.sort %select_n3A_364, %select_n3A_365 masked %masked_sort3A_370 : (vector<16xf32>, vector<16xi32>, vector<16xi1>) -> (vector<16xi1>, vector<16xf32>, vector<16xi32>)
        scf.yield %masked_sort3A_368, %masked_sort3A_372, %masked_sort3A_349, %masked_sort3A_369, %masked_sort3A_373, %masked_sort3A_350 : vector<16xf32>, vector<16xf32>, vector<16xf32>, vector<16xi32>, vector<16xi32>, vector<16xi32>
      }
      %ge3A = arith.constant 4 : i32
      %ge3A_249 = arith.cmpi sge, %scan3A_148, %ge3A : i32
      %convert_element_type3A_250 = arith.extui %ge3A_249 : i1 to i32
      %cond3A_251 = arith.constant 0 : i32
      %cond3A_252 = arith.cmpi ne, %convert_element_type3A_250, %cond3A_251 : i32
      scf.if %cond3A_252 {
        %sub3A = arith.constant 4 : i32
        %sub3A_298 = arith.subi %scan3A_148, %sub3A : i32
        %rem3A_299 = arith.constant 4 : i32
        %rem3A_300 = arith.remsi %sub3A_298, %rem3A_299 : i32
        %add3A_301 = arith.addi %mul3A_2, %sub3A_298 : i32
        %add3A_302 = arith.addi %mul3A_2, %sub3A_298 : i32
        %dma_wait3A_303 = arith.constant 0 : i32
        %dma_wait3A_304 = tpu.memref_slice %arg9[%rem3A_300, %dma_wait3A_303] : memref<4x48xf32, #tpu.memory_space<vmem>> -> memref<1x48xf32, #tpu.memory_space<vmem>>
        %dma_wait3A_305 = arith.constant 0 : i32
        %dma_wait3A_306 = tpu.memref_slice %arg4[%add3A_301, %dma_wait3A_305] : memref<8192x48xf32, #tpu.memory_space<hbm>> -> memref<1x48xf32, #tpu.memory_space<hbm>>
        %dma_wait3A_307 = tpu.memref_slice %arg12[%rem3A_300] : memref<4x!tpu.dma_semaphore, #tpu.memory_space<semaphore_mem>> -> memref<1x!tpu.dma_semaphore, #tpu.memory_space<semaphore_mem>>
        %dma_wait3A_308 = tpu.memref_squeeze %dma_wait3A_307 : memref<1x!tpu.dma_semaphore, #tpu.memory_space<semaphore_mem>> -> memref<!tpu.dma_semaphore, #tpu.memory_space<semaphore_mem>>
        %dma_wait3A_309 = arith.constant 0 : i32
        %dma_wait3A_310 = tpu.memref_slice %arg4[%add3A_301, %dma_wait3A_309] : memref<8192x48xf32, #tpu.memory_space<hbm>> -> memref<1x48xf32, #tpu.memory_space<hbm>>
        %dma_wait3A_311 = arith.constant 0 : i32
        %dma_wait3A_312 = tpu.memref_slice %arg9[%rem3A_300, %dma_wait3A_311] : memref<4x48xf32, #tpu.memory_space<vmem>> -> memref<1x48xf32, #tpu.memory_space<vmem>>
        tpu.wait_dma2 semaphore(%dma_wait3A_308 : memref<!tpu.dma_semaphore, #tpu.memory_space<semaphore_mem>>) src(%dma_wait3A_312 : memref<1x48xf32, #tpu.memory_space<vmem>>) dst(%dma_wait3A_310 : memref<1x48xf32, #tpu.memory_space<hbm>>)
        %dma_wait3A_313 = arith.constant 0 : i32
        %dma_wait3A_314 = tpu.memref_slice %arg10[%rem3A_300, %dma_wait3A_313] : memref<4x48xi32, #tpu.memory_space<vmem>> -> memref<1x48xi32, #tpu.memory_space<vmem>>
        %dma_wait3A_315 = arith.constant 0 : i32
        %dma_wait3A_316 = tpu.memref_slice %arg5[%add3A_302, %dma_wait3A_315] : memref<8192x48xi32, #tpu.memory_space<hbm>> -> memref<1x48xi32, #tpu.memory_space<hbm>>
        %dma_wait3A_317 = tpu.memref_slice %arg13[%rem3A_300] : memref<4x!tpu.dma_semaphore, #tpu.memory_space<semaphore_mem>> -> memref<1x!tpu.dma_semaphore, #tpu.memory_space<semaphore_mem>>
        %dma_wait3A_318 = tpu.memref_squeeze %dma_wait3A_317 : memref<1x!tpu.dma_semaphore, #tpu.memory_space<semaphore_mem>> -> memref<!tpu.dma_semaphore, #tpu.memory_space<semaphore_mem>>
        %dma_wait3A_319 = arith.constant 0 : i32
        %dma_wait3A_320 = tpu.memref_slice %arg5[%add3A_302, %dma_wait3A_319] : memref<8192x48xi32, #tpu.memory_space<hbm>> -> memref<1x48xi32, #tpu.memory_space<hbm>>
        %dma_wait3A_321 = arith.constant 0 : i32
        %dma_wait3A_322 = tpu.memref_slice %arg10[%rem3A_300, %dma_wait3A_321] : memref<4x48xi32, #tpu.memory_space<vmem>> -> memref<1x48xi32, #tpu.memory_space<vmem>>
        tpu.wait_dma2 semaphore(%dma_wait3A_318 : memref<!tpu.dma_semaphore, #tpu.memory_space<semaphore_mem>>) src(%dma_wait3A_322 : memref<1x48xi32, #tpu.memory_space<vmem>>) dst(%dma_wait3A_320 : memref<1x48xi32, #tpu.memory_space<hbm>>)
      } else {
      }
      %rem3A_253 = arith.constant 4 : i32
      %rem3A_254 = arith.remsi %scan3A_148, %rem3A_253 : i32
      %swap3A_255 = arith.index_cast %rem3A_254 : i32 to index
      %swap3A_256 = arith.constant 0 : index
      %swap3A_257 = tpu.vector_load %arg9[%swap3A_255, %swap3A_256] {strides = array<i32>} : memref<4x48xf32, #tpu.memory_space<vmem>>, vector<16xf32>,
      tpu.vector_store %arg9[%swap3A_255, %swap3A_256], %while3A_248#0 {strides = array<i32>} : memref<4x48xf32, #tpu.memory_space<vmem>>, vector<16xf32>,
      %swap3A_258 = arith.index_cast %rem3A_254 : i32 to index
      %swap3A_259 = arith.constant 16 : index
      %swap3A_260 = tpu.vector_load %arg9[%swap3A_258, %swap3A_259] {strides = array<i32>} : memref<4x48xf32, #tpu.memory_space<vmem>>, vector<16xf32>,
      tpu.vector_store %arg9[%swap3A_258, %swap3A_259], %while3A_248#1 {strides = array<i32>} : memref<4x48xf32, #tpu.memory_space<vmem>>, vector<16xf32>,
      %swap3A_261 = arith.index_cast %rem3A_254 : i32 to index
      %swap3A_262 = arith.constant 32 : index
      %swap3A_263 = tpu.vector_load %arg9[%swap3A_261, %swap3A_262] {strides = array<i32>} : memref<4x48xf32, #tpu.memory_space<vmem>>, vector<16xf32>,
      tpu.vector_store %arg9[%swap3A_261, %swap3A_262], %while3A_248#2 {strides = array<i32>} : memref<4x48xf32, #tpu.memory_space<vmem>>, vector<16xf32>,
      %swap3A_264 = arith.index_cast %rem3A_254 : i32 to index
      %swap3A_265 = arith.constant 0 : index
      %swap3A_266 = tpu.vector_load %arg10[%swap3A_264, %swap3A_265] {strides = array<i32>} : memref<4x48xi32, #tpu.memory_space<vmem>>, vector<16xi32>,
      tpu.vector_store %arg10[%swap3A_264, %swap3A_265], %while3A_248#3 {strides = array<i32>} : memref<4x48xi32, #tpu.memory_space<vmem>>, vector<16xi32>,
      %swap3A_267 = arith.index_cast %rem3A_254 : i32 to index
      %swap3A_268 = arith.constant 16 : index
      %swap3A_269 = tpu.vector_load %arg10[%swap3A_267, %swap3A_268] {strides = array<i32>} : memref<4x48xi32, #tpu.memory_space<vmem>>, vector<16xi32>,
      tpu.vector_store %arg10[%swap3A_267, %swap3A_268], %while3A_248#4 {strides = array<i32>} : memref<4x48xi32, #tpu.memory_space<vmem>>, vector<16xi32>,
      %swap3A_270 = arith.index_cast %rem3A_254 : i32 to index
      %swap3A_271 = arith.constant 32 : index
      %swap3A_272 = tpu.vector_load %arg10[%swap3A_270, %swap3A_271] {strides = array<i32>} : memref<4x48xi32, #tpu.memory_space<vmem>>, vector<16xi32>,
      tpu.vector_store %arg10[%swap3A_270, %swap3A_271], %while3A_248#5 {strides = array<i32>} : memref<4x48xi32, #tpu.memory_space<vmem>>, vector<16xi32>,
      %rem3A_273 = arith.constant 4 : i32
      %rem3A_274 = arith.remsi %scan3A_148, %rem3A_273 : i32
      %add3A_275 = arith.addi %mul3A_2, %scan3A_148 : i32
      %add3A_276 = arith.addi %mul3A_2, %scan3A_148 : i32
      %dma_start3A_277 = arith.constant 0 : i32
      %dma_start3A_278 = tpu.memref_slice %arg9[%rem3A_274, %dma_start3A_277] : memref<4x48xf32, #tpu.memory_space<vmem>> -> memref<1x48xf32, #tpu.memory_space<vmem>>
      %dma_start3A_279 = arith.constant 0 : i32
      %dma_start3A_280 = tpu.memref_slice %arg4[%add3A_275, %dma_start3A_279] : memref<8192x48xf32, #tpu.memory_space<hbm>> -> memref<1x48xf32, #tpu.memory_space<hbm>>
      %dma_start3A_281 = tpu.memref_slice %arg12[%rem3A_274] : memref<4x!tpu.dma_semaphore, #tpu.memory_space<semaphore_mem>> -> memref<1x!tpu.dma_semaphore, #tpu.memory_space<semaphore_mem>>
      %dma_start3A_282 = tpu.memref_squeeze %dma_start3A_281 : memref<1x!tpu.dma_semaphore, #tpu.memory_space<semaphore_mem>> -> memref<!tpu.dma_semaphore, #tpu.memory_space<semaphore_mem>>
      %dma_start3A_283 = arith.constant 0 : i32
      %dma_start3A_284 = tpu.memref_slice %arg4[%add3A_275, %dma_start3A_283] : memref<8192x48xf32, #tpu.memory_space<hbm>> -> memref<1x48xf32, #tpu.memory_space<hbm>>
      %dma_start3A_285 = arith.constant 0 : i32
      %dma_start3A_286 = tpu.memref_slice %arg9[%rem3A_274, %dma_start3A_285] : memref<4x48xf32, #tpu.memory_space<vmem>> -> memref<1x48xf32, #tpu.memory_space<vmem>>
      tpu.enqueue_dma source(%dma_start3A_286 : memref<1x48xf32, #tpu.memory_space<vmem>>) target(%dma_start3A_284 : memref<1x48xf32, #tpu.memory_space<hbm>>) target_semaphore(%dma_start3A_282 : memref<!tpu.dma_semaphore, #tpu.memory_space<semaphore_mem>>)
      %dma_start3A_287 = arith.constant 0 : i32
      %dma_start3A_288 = tpu.memref_slice %arg10[%rem3A_274, %dma_start3A_287] : memref<4x48xi32, #tpu.memory_space<vmem>> -> memref<1x48xi32, #tpu.memory_space<vmem>>
      %dma_start3A_289 = arith.constant 0 : i32
      %dma_start3A_290 = tpu.memref_slice %arg5[%add3A_276, %dma_start3A_289] : memref<8192x48xi32, #tpu.memory_space<hbm>> -> memref<1x48xi32, #tpu.memory_space<hbm>>
      %dma_start3A_291 = tpu.memref_slice %arg13[%rem3A_274] : memref<4x!tpu.dma_semaphore, #tpu.memory_space<semaphore_mem>> -> memref<1x!tpu.dma_semaphore, #tpu.memory_space<semaphore_mem>>
      %dma_start3A_292 = tpu.memref_squeeze %dma_start3A_291 : memref<1x!tpu.dma_semaphore, #tpu.memory_space<semaphore_mem>> -> memref<!tpu.dma_semaphore, #tpu.memory_space<semaphore_mem>>
      %dma_start3A_293 = arith.constant 0 : i32
      %dma_start3A_294 = tpu.memref_slice %arg5[%add3A_276, %dma_start3A_293] : memref<8192x48xi32, #tpu.memory_space<hbm>> -> memref<1x48xi32, #tpu.memory_space<hbm>>
      %dma_start3A_295 = arith.constant 0 : i32
      %dma_start3A_296 = tpu.memref_slice %arg10[%rem3A_274, %dma_start3A_295] : memref<4x48xi32, #tpu.memory_space<vmem>> -> memref<1x48xi32, #tpu.memory_space<vmem>>
      tpu.enqueue_dma source(%dma_start3A_296 : memref<1x48xi32, #tpu.memory_space<vmem>>) target(%dma_start3A_294 : memref<1x48xi32, #tpu.memory_space<hbm>>) target_semaphore(%dma_start3A_292 : memref<!tpu.dma_semaphore, #tpu.memory_space<semaphore_mem>>)
      %scan3A_297 = arith.constant 0 : i32
      scf.yield %scan3A_297 : i32
    }
    %scan3A_40 = arith.constant 256 : i32
    %rem3A_41 = arith.constant 252 : i32
    %rem3A_42 = arith.constant 4 : i32
    %rem3A_43 = arith.remsi %rem3A_41, %rem3A_42 : i32
    %add3A_44 = arith.constant 252 : i32
    %add3A_45 = arith.addi %mul3A_2, %add3A_44 : i32
    %add3A_46 = arith.constant 252 : i32
    %add3A_47 = arith.addi %mul3A_2, %add3A_46 : i32
    %dma_wait3A = arith.constant 0 : i32
    %dma_wait3A_48 = tpu.memref_slice %arg9[%rem3A_43, %dma_wait3A] : memref<4x48xf32, #tpu.memory_space<vmem>> -> memref<1x48xf32, #tpu.memory_space<vmem>>
    %dma_wait3A_49 = arith.constant 0 : i32
    %dma_wait3A_50 = tpu.memref_slice %arg4[%add3A_45, %dma_wait3A_49] : memref<8192x48xf32, #tpu.memory_space<hbm>> -> memref<1x48xf32, #tpu.memory_space<hbm>>
    %dma_wait3A_51 = tpu.memref_slice %arg12[%rem3A_43] : memref<4x!tpu.dma_semaphore, #tpu.memory_space<semaphore_mem>> -> memref<1x!tpu.dma_semaphore, #tpu.memory_space<semaphore_mem>>
    %dma_wait3A_52 = tpu.memref_squeeze %dma_wait3A_51 : memref<1x!tpu.dma_semaphore, #tpu.memory_space<semaphore_mem>> -> memref<!tpu.dma_semaphore, #tpu.memory_space<semaphore_mem>>
    %dma_wait3A_53 = arith.constant 0 : i32
    %dma_wait3A_54 = tpu.memref_slice %arg4[%add3A_45, %dma_wait3A_53] : memref<8192x48xf32, #tpu.memory_space<hbm>> -> memref<1x48xf32, #tpu.memory_space<hbm>>
    %dma_wait3A_55 = arith.constant 0 : i32
    %dma_wait3A_56 = tpu.memref_slice %arg9[%rem3A_43, %dma_wait3A_55] : memref<4x48xf32, #tpu.memory_space<vmem>> -> memref<1x48xf32, #tpu.memory_space<vmem>>
    tpu.wait_dma2 semaphore(%dma_wait3A_52 : memref<!tpu.dma_semaphore, #tpu.memory_space<semaphore_mem>>) src(%dma_wait3A_56 : memref<1x48xf32, #tpu.memory_space<vmem>>) dst(%dma_wait3A_54 : memref<1x48xf32, #tpu.memory_space<hbm>>)
    %dma_wait3A_57 = arith.constant 0 : i32
    %dma_wait3A_58 = tpu.memref_slice %arg10[%rem3A_43, %dma_wait3A_57] : memref<4x48xi32, #tpu.memory_space<vmem>> -> memref<1x48xi32, #tpu.memory_space<vmem>>
    %dma_wait3A_59 = arith.constant 0 : i32
    %dma_wait3A_60 = tpu.memref_slice %arg5[%add3A_47, %dma_wait3A_59] : memref<8192x48xi32, #tpu.memory_space<hbm>> -> memref<1x48xi32, #tpu.memory_space<hbm>>
    %dma_wait3A_61 = tpu.memref_slice %arg13[%rem3A_43] : memref<4x!tpu.dma_semaphore, #tpu.memory_space<semaphore_mem>> -> memref<1x!tpu.dma_semaphore, #tpu.memory_space<semaphore_mem>>
    %dma_wait3A_62 = tpu.memref_squeeze %dma_wait3A_61 : memref<1x!tpu.dma_semaphore, #tpu.memory_space<semaphore_mem>> -> memref<!tpu.dma_semaphore, #tpu.memory_space<semaphore_mem>>
    %dma_wait3A_63 = arith.constant 0 : i32
    %dma_wait3A_64 = tpu.memref_slice %arg5[%add3A_47, %dma_wait3A_63] : memref<8192x48xi32, #tpu.memory_space<hbm>> -> memref<1x48xi32, #tpu.memory_space<hbm>>
    %dma_wait3A_65 = arith.constant 0 : i32
    %dma_wait3A_66 = tpu.memref_slice %arg10[%rem3A_43, %dma_wait3A_65] : memref<4x48xi32, #tpu.memory_space<vmem>> -> memref<1x48xi32, #tpu.memory_space<vmem>>
    tpu.wait_dma2 semaphore(%dma_wait3A_62 : memref<!tpu.dma_semaphore, #tpu.memory_space<semaphore_mem>>) src(%dma_wait3A_66 : memref<1x48xi32, #tpu.memory_space<vmem>>) dst(%dma_wait3A_64 : memref<1x48xi32, #tpu.memory_space<hbm>>)
    %rem3A_67 = arith.constant 253 : i32
    %rem3A_68 = arith.constant 4 : i32
    %rem3A_69 = arith.remsi %rem3A_67, %rem3A_68 : i32
    %add3A_70 = arith.constant 253 : i32
    %add3A_71 = arith.addi %mul3A_2, %add3A_70 : i32
    %add3A_72 = arith.constant 253 : i32
    %add3A_73 = arith.addi %mul3A_2, %add3A_72 : i32
    %dma_wait3A_74 = arith.constant 0 : i32
    %dma_wait3A_75 = tpu.memref_slice %arg9[%rem3A_69, %dma_wait3A_74] : memref<4x48xf32, #tpu.memory_space<vmem>> -> memref<1x48xf32, #tpu.memory_space<vmem>>
    %dma_wait3A_76 = arith.constant 0 : i32
    %dma_wait3A_77 = tpu.memref_slice %arg4[%add3A_71, %dma_wait3A_76] : memref<8192x48xf32, #tpu.memory_space<hbm>> -> memref<1x48xf32, #tpu.memory_space<hbm>>
    %dma_wait3A_78 = tpu.memref_slice %arg12[%rem3A_69] : memref<4x!tpu.dma_semaphore, #tpu.memory_space<semaphore_mem>> -> memref<1x!tpu.dma_semaphore, #tpu.memory_space<semaphore_mem>>
    %dma_wait3A_79 = tpu.memref_squeeze %dma_wait3A_78 : memref<1x!tpu.dma_semaphore, #tpu.memory_space<semaphore_mem>> -> memref<!tpu.dma_semaphore, #tpu.memory_space<semaphore_mem>>
    %dma_wait3A_80 = arith.constant 0 : i32
    %dma_wait3A_81 = tpu.memref_slice %arg4[%add3A_71, %dma_wait3A_80] : memref<8192x48xf32, #tpu.memory_space<hbm>> -> memref<1x48xf32, #tpu.memory_space<hbm>>
    %dma_wait3A_82 = arith.constant 0 : i32
    %dma_wait3A_83 = tpu.memref_slice %arg9[%rem3A_69, %dma_wait3A_82] : memref<4x48xf32, #tpu.memory_space<vmem>> -> memref<1x48xf32, #tpu.memory_space<vmem>>
    tpu.wait_dma2 semaphore(%dma_wait3A_79 : memref<!tpu.dma_semaphore, #tpu.memory_space<semaphore_mem>>) src(%dma_wait3A_83 : memref<1x48xf32, #tpu.memory_space<vmem>>) dst(%dma_wait3A_81 : memref<1x48xf32, #tpu.memory_space<hbm>>)
    %dma_wait3A_84 = arith.constant 0 : i32
    %dma_wait3A_85 = tpu.memref_slice %arg10[%rem3A_69, %dma_wait3A_84] : memref<4x48xi32, #tpu.memory_space<vmem>> -> memref<1x48xi32, #tpu.memory_space<vmem>>
    %dma_wait3A_86 = arith.constant 0 : i32
    %dma_wait3A_87 = tpu.memref_slice %arg5[%add3A_73, %dma_wait3A_86] : memref<8192x48xi32, #tpu.memory_space<hbm>> -> memref<1x48xi32, #tpu.memory_space<hbm>>
    %dma_wait3A_88 = tpu.memref_slice %arg13[%rem3A_69] : memref<4x!tpu.dma_semaphore, #tpu.memory_space<semaphore_mem>> -> memref<1x!tpu.dma_semaphore, #tpu.memory_space<semaphore_mem>>
    %dma_wait3A_89 = tpu.memref_squeeze %dma_wait3A_88 : memref<1x!tpu.dma_semaphore, #tpu.memory_space<semaphore_mem>> -> memref<!tpu.dma_semaphore, #tpu.memory_space<semaphore_mem>>
    %dma_wait3A_90 = arith.constant 0 : i32
    %dma_wait3A_91 = tpu.memref_slice %arg5[%add3A_73, %dma_wait3A_90] : memref<8192x48xi32, #tpu.memory_space<hbm>> -> memref<1x48xi32, #tpu.memory_space<hbm>>
    %dma_wait3A_92 = arith.constant 0 : i32
    %dma_wait3A_93 = tpu.memref_slice %arg10[%rem3A_69, %dma_wait3A_92] : memref<4x48xi32, #tpu.memory_space<vmem>> -> memref<1x48xi32, #tpu.memory_space<vmem>>
    tpu.wait_dma2 semaphore(%dma_wait3A_89 : memref<!tpu.dma_semaphore, #tpu.memory_space<semaphore_mem>>) src(%dma_wait3A_93 : memref<1x48xi32, #tpu.memory_space<vmem>>) dst(%dma_wait3A_91 : memref<1x48xi32, #tpu.memory_space<hbm>>)
    %rem3A_94 = arith.constant 254 : i32
    %rem3A_95 = arith.constant 4 : i32
    %rem3A_96 = arith.remsi %rem3A_94, %rem3A_95 : i32
    %add3A_97 = arith.constant 254 : i32
    %add3A_98 = arith.addi %mul3A_2, %add3A_97 : i32
    %add3A_99 = arith.constant 254 : i32
    %add3A_100 = arith.addi %mul3A_2, %add3A_99 : i32
    %dma_wait3A_101 = arith.constant 0 : i32
    %dma_wait3A_102 = tpu.memref_slice %arg9[%rem3A_96, %dma_wait3A_101] : memref<4x48xf32, #tpu.memory_space<vmem>> -> memref<1x48xf32, #tpu.memory_space<vmem>>
    %dma_wait3A_103 = arith.constant 0 : i32
    %dma_wait3A_104 = tpu.memref_slice %arg4[%add3A_98, %dma_wait3A_103] : memref<8192x48xf32, #tpu.memory_space<hbm>> -> memref<1x48xf32, #tpu.memory_space<hbm>>
    %dma_wait3A_105 = tpu.memref_slice %arg12[%rem3A_96] : memref<4x!tpu.dma_semaphore, #tpu.memory_space<semaphore_mem>> -> memref<1x!tpu.dma_semaphore, #tpu.memory_space<semaphore_mem>>
    %dma_wait3A_106 = tpu.memref_squeeze %dma_wait3A_105 : memref<1x!tpu.dma_semaphore, #tpu.memory_space<semaphore_mem>> -> memref<!tpu.dma_semaphore, #tpu.memory_space<semaphore_mem>>
    %dma_wait3A_107 = arith.constant 0 : i32
    %dma_wait3A_108 = tpu.memref_slice %arg4[%add3A_98, %dma_wait3A_107] : memref<8192x48xf32, #tpu.memory_space<hbm>> -> memref<1x48xf32, #tpu.memory_space<hbm>>
    %dma_wait3A_109 = arith.constant 0 : i32
    %dma_wait3A_110 = tpu.memref_slice %arg9[%rem3A_96, %dma_wait3A_109] : memref<4x48xf32, #tpu.memory_space<vmem>> -> memref<1x48xf32, #tpu.memory_space<vmem>>
    tpu.wait_dma2 semaphore(%dma_wait3A_106 : memref<!tpu.dma_semaphore, #tpu.memory_space<semaphore_mem>>) src(%dma_wait3A_110 : memref<1x48xf32, #tpu.memory_space<vmem>>) dst(%dma_wait3A_108 : memref<1x48xf32, #tpu.memory_space<hbm>>)
    %dma_wait3A_111 = arith.constant 0 : i32
    %dma_wait3A_112 = tpu.memref_slice %arg10[%rem3A_96, %dma_wait3A_111] : memref<4x48xi32, #tpu.memory_space<vmem>> -> memref<1x48xi32, #tpu.memory_space<vmem>>
    %dma_wait3A_113 = arith.constant 0 : i32
    %dma_wait3A_114 = tpu.memref_slice %arg5[%add3A_100, %dma_wait3A_113] : memref<8192x48xi32, #tpu.memory_space<hbm>> -> memref<1x48xi32, #tpu.memory_space<hbm>>
    %dma_wait3A_115 = tpu.memref_slice %arg13[%rem3A_96] : memref<4x!tpu.dma_semaphore, #tpu.memory_space<semaphore_mem>> -> memref<1x!tpu.dma_semaphore, #tpu.memory_space<semaphore_mem>>
    %dma_wait3A_116 = tpu.memref_squeeze %dma_wait3A_115 : memref<1x!tpu.dma_semaphore, #tpu.memory_space<semaphore_mem>> -> memref<!tpu.dma_semaphore, #tpu.memory_space<semaphore_mem>>
    %dma_wait3A_117 = arith.constant 0 : i32
    %dma_wait3A_118 = tpu.memref_slice %arg5[%add3A_100, %dma_wait3A_117] : memref<8192x48xi32, #tpu.memory_space<hbm>> -> memref<1x48xi32, #tpu.memory_space<hbm>>
    %dma_wait3A_119 = arith.constant 0 : i32
    %dma_wait3A_120 = tpu.memref_slice %arg10[%rem3A_96, %dma_wait3A_119] : memref<4x48xi32, #tpu.memory_space<vmem>> -> memref<1x48xi32, #tpu.memory_space<vmem>>
    tpu.wait_dma2 semaphore(%dma_wait3A_116 : memref<!tpu.dma_semaphore, #tpu.memory_space<semaphore_mem>>) src(%dma_wait3A_120 : memref<1x48xi32, #tpu.memory_space<vmem>>) dst(%dma_wait3A_118 : memref<1x48xi32, #tpu.memory_space<hbm>>)
    %rem3A_121 = arith.constant 255 : i32
    %rem3A_122 = arith.constant 4 : i32
    %rem3A_123 = arith.remsi %rem3A_121, %rem3A_122 : i32
    %add3A_124 = arith.constant 255 : i32
    %add3A_125 = arith.addi %mul3A_2, %add3A_124 : i32
    %add3A_126 = arith.constant 255 : i32
    %add3A_127 = arith.addi %mul3A_2, %add3A_126 : i32
    %dma_wait3A_128 = arith.constant 0 : i32
    %dma_wait3A_129 = tpu.memref_slice %arg9[%rem3A_123, %dma_wait3A_128] : memref<4x48xf32, #tpu.memory_space<vmem>> -> memref<1x48xf32, #tpu.memory_space<vmem>>
    %dma_wait3A_130 = arith.constant 0 : i32
    %dma_wait3A_131 = tpu.memref_slice %arg4[%add3A_125, %dma_wait3A_130] : memref<8192x48xf32, #tpu.memory_space<hbm>> -> memref<1x48xf32, #tpu.memory_space<hbm>>
    %dma_wait3A_132 = tpu.memref_slice %arg12[%rem3A_123] : memref<4x!tpu.dma_semaphore, #tpu.memory_space<semaphore_mem>> -> memref<1x!tpu.dma_semaphore, #tpu.memory_space<semaphore_mem>>
    %dma_wait3A_133 = tpu.memref_squeeze %dma_wait3A_132 : memref<1x!tpu.dma_semaphore, #tpu.memory_space<semaphore_mem>> -> memref<!tpu.dma_semaphore, #tpu.memory_space<semaphore_mem>>
    %dma_wait3A_134 = arith.constant 0 : i32
    %dma_wait3A_135 = tpu.memref_slice %arg4[%add3A_125, %dma_wait3A_134] : memref<8192x48xf32, #tpu.memory_space<hbm>> -> memref<1x48xf32, #tpu.memory_space<hbm>>
    %dma_wait3A_136 = arith.constant 0 : i32
    %dma_wait3A_137 = tpu.memref_slice %arg9[%rem3A_123, %dma_wait3A_136] : memref<4x48xf32, #tpu.memory_space<vmem>> -> memref<1x48xf32, #tpu.memory_space<vmem>>
    tpu.wait_dma2 semaphore(%dma_wait3A_133 : memref<!tpu.dma_semaphore, #tpu.memory_space<semaphore_mem>>) src(%dma_wait3A_137 : memref<1x48xf32, #tpu.memory_space<vmem>>) dst(%dma_wait3A_135 : memref<1x48xf32, #tpu.memory_space<hbm>>)
    %dma_wait3A_138 = arith.constant 0 : i32
    %dma_wait3A_139 = tpu.memref_slice %arg10[%rem3A_123, %dma_wait3A_138] : memref<4x48xi32, #tpu.memory_space<vmem>> -> memref<1x48xi32, #tpu.memory_space<vmem>>
    %dma_wait3A_140 = arith.constant 0 : i32
    %dma_wait3A_141 = tpu.memref_slice %arg5[%add3A_127, %dma_wait3A_140] : memref<8192x48xi32, #tpu.memory_space<hbm>> -> memref<1x48xi32, #tpu.memory_space<hbm>>
    %dma_wait3A_142 = tpu.memref_slice %arg13[%rem3A_123] : memref<4x!tpu.dma_semaphore, #tpu.memory_space<semaphore_mem>> -> memref<1x!tpu.dma_semaphore, #tpu.memory_space<semaphore_mem>>
    %dma_wait3A_143 = tpu.memref_squeeze %dma_wait3A_142 : memref<1x!tpu.dma_semaphore, #tpu.memory_space<semaphore_mem>> -> memref<!tpu.dma_semaphore, #tpu.memory_space<semaphore_mem>>
    %dma_wait3A_144 = arith.constant 0 : i32
    %dma_wait3A_145 = tpu.memref_slice %arg5[%add3A_127, %dma_wait3A_144] : memref<8192x48xi32, #tpu.memory_space<hbm>> -> memref<1x48xi32, #tpu.memory_space<hbm>>
    %dma_wait3A_146 = arith.constant 0 : i32
    %dma_wait3A_147 = tpu.memref_slice %arg10[%rem3A_123, %dma_wait3A_146] : memref<4x48xi32, #tpu.memory_space<vmem>> -> memref<1x48xi32, #tpu.memory_space<vmem>>
    tpu.wait_dma2 semaphore(%dma_wait3A_143 : memref<!tpu.dma_semaphore, #tpu.memory_space<semaphore_mem>>) src(%dma_wait3A_147 : memref<1x48xi32, #tpu.memory_space<vmem>>) dst(%dma_wait3A_145 : memref<1x48xi32, #tpu.memory_space<hbm>>)
    return
  }
}

module attributes {stable_mosaic.version = 14 : i64} {
  func.func @_d2_thr_block(%arg0: i32, %arg1: memref<256x8xf32, #tpu.memory_space<vmem>>, %arg2: memref<8x8192xf32, #tpu.memory_space<vmem>>, %arg3: memref<256x8192xf32, #tpu.memory_space<vmem>>, %arg4: memref<256x64xf32, #tpu.memory_space<vmem>>) attributes {dimension_semantics = [#tpu.dimension_semantics<arbitrary>], iteration_bounds = array<i64: 32>, scalar_prefetch = 0 : i64, scratch_operands = 0 : i64, tpu.core_type = #tpu.core_type<tc>, window_params = [{transform_indices = @transform_0, window_bounds = array<i64: 256, 8>}, {pipeline_mode = #tpu.pipeline_mode<synchronous>, transform_indices = @transform_1, window_bounds = array<i64: 8, 8192>}, {transform_indices = @transform_2, window_bounds = array<i64: 256, 8192>}, {transform_indices = @transform_3, window_bounds = array<i64: 256, 64>}]} {
    %get3A = arith.constant 0 : index
    %get3A_0 = arith.constant 0 : index
    %get3A_1 = vector.load %arg1[%get3A, %get3A_0] : memref<256x8xf32, #tpu.memory_space<vmem>>, vector<256x8xf32>
    %get3A_2 = arith.constant 0 : index
    %get3A_3 = arith.constant 0 : index
    %get3A_4 = vector.load %arg2[%get3A_2, %get3A_3] : memref<8x8192xf32, #tpu.memory_space<vmem>>, vector<8x8192xf32>
    %dot_general3A = arith.constant dense<0.000000e+00> : vector<256x8192xf32>
    %dot_general3A_5 = tpu.matmul %get3A_1, %get3A_4, %dot_general3A {dimension_numbers = #tpu.dot_dimension_numbers<[1], [0], [0], [1], [0, 0, 1, 1], [], []>, transpose_lhs_hint = false} : vector<256x8xf32>, vector<8x8192xf32>, vector<256x8192xf32> -> vector<256x8192xf32>
    %mul3A = arith.mulf %get3A_1, %get3A_1 : vector<256x8xf32>
    %reduce_sum3A = arith.constant dense<0.000000e+00> : vector<256xf32>
    %reduce_sum3A_6 = vector.multi_reduction <add>, %mul3A, %reduce_sum3A [1] : vector<256x8xf32> to vector<256xf32>
    %broadcast_in_dim3A = vector.shape_cast %reduce_sum3A_6 : vector<256xf32> to vector<256x1xf32>
    %mul3A_7 = arith.mulf %get3A_4, %get3A_4 : vector<8x8192xf32>
    %reduce_sum3A_8 = arith.constant dense<0.000000e+00> : vector<8192xf32>
    %reduce_sum3A_9 = vector.multi_reduction <add>, %mul3A_7, %reduce_sum3A_8 [0] : vector<8x8192xf32> to vector<8192xf32>
    %broadcast_in_dim3A_10 = vector.shape_cast %reduce_sum3A_9 : vector<8192xf32> to vector<1x8192xf32>
    %add3A = vector.broadcast %broadcast_in_dim3A : vector<256x1xf32> to vector<256x8192xf32>
    %add3A_11 = vector.broadcast %broadcast_in_dim3A_10 : vector<1x8192xf32> to vector<256x8192xf32>
    %add3A_12 = arith.addf %add3A, %add3A_11 : vector<256x8192xf32>
    %mul3A_13 = arith.constant 2.000000e+00 : f32
    %mul3A_14 = vector.broadcast %mul3A_13 : f32 to vector<256x8192xf32>
    %mul3A_15 = arith.mulf %mul3A_14, %dot_general3A_5 : vector<256x8192xf32>
    %sub3A = arith.subf %add3A_12, %mul3A_15 : vector<256x8192xf32>
    %max3A = arith.constant 0.000000e+00 : f32
    %max3A_16 = vector.broadcast %max3A : f32 to vector<256x8192xf32>
    %max3A_17 = arith.maximumf %sub3A, %max3A_16 : vector<256x8192xf32>
    %iota3A = tpu.iota {dimensions = array<i32: 1>} : vector<256x8192xi32>
    %convert_element_type3A = arith.sitofp %iota3A : vector<256x8192xi32> to vector<256x8192xf32>
    %eq3A = arith.constant 0.000000e+00 : f32
    %eq3A_18 = vector.broadcast %eq3A : f32 to vector<256x8192xf32>
    %eq3A_19 = arith.cmpf oeq, %max3A_17, %eq3A_18 : vector<256x8192xf32>
    %sub3A_20 = arith.constant 8.192000e+03 : f32
    %sub3A_21 = vector.broadcast %sub3A_20 : f32 to vector<256x8192xf32>
    %sub3A_22 = arith.subf %convert_element_type3A, %sub3A_21 : vector<256x8192xf32>
    %mul3A_23 = arith.constant 7.88860905E-31 : f32
    %mul3A_24 = vector.broadcast %mul3A_23 : f32 to vector<256x8192xf32>
    %mul3A_25 = arith.mulf %sub3A_22, %mul3A_24 : vector<256x8192xf32>
    %select_n3A = arith.select %eq3A_19, %mul3A_25, %max3A_17 : vector<256x8192xi1>, vector<256x8192xf32>
    %swap3A = arith.constant 0 : index
    %swap3A_26 = arith.constant 0 : index
    %swap3A_27 = vector.load %arg3[%swap3A, %swap3A_26] : memref<256x8192xf32, #tpu.memory_space<vmem>>, vector<256x8192xf32>
    tpu.vector_store %arg3[%swap3A, %swap3A_26], %select_n3A {strides = array<i32>} : memref<256x8192xf32, #tpu.memory_space<vmem>>, vector<256x8192xf32>,
    %slice3A = vector.extract_strided_slice %select_n3A {offsets = [0, 0], sizes = [256, 4096], strides = [1, 1]} : vector<256x8192xf32> to vector<256x4096xf32>
    %slice3A_28 = vector.extract_strided_slice %select_n3A {offsets = [0, 4096], sizes = [256, 4096], strides = [1, 1]} : vector<256x8192xf32> to vector<256x4096xf32>
    %min3A = arith.minimumf %slice3A, %slice3A_28 : vector<256x4096xf32>
    %slice3A_29 = vector.extract_strided_slice %min3A {offsets = [0, 0], sizes = [256, 2048], strides = [1, 1]} : vector<256x4096xf32> to vector<256x2048xf32>
    %slice3A_30 = vector.extract_strided_slice %min3A {offsets = [0, 2048], sizes = [256, 2048], strides = [1, 1]} : vector<256x4096xf32> to vector<256x2048xf32>
    %min3A_31 = arith.minimumf %slice3A_29, %slice3A_30 : vector<256x2048xf32>
    %slice3A_32 = vector.extract_strided_slice %min3A_31 {offsets = [0, 0], sizes = [256, 1024], strides = [1, 1]} : vector<256x2048xf32> to vector<256x1024xf32>
    %slice3A_33 = vector.extract_strided_slice %min3A_31 {offsets = [0, 1024], sizes = [256, 1024], strides = [1, 1]} : vector<256x2048xf32> to vector<256x1024xf32>
    %min3A_34 = arith.minimumf %slice3A_32, %slice3A_33 : vector<256x1024xf32>
    %slice3A_35 = vector.extract_strided_slice %min3A_34 {offsets = [0, 0], sizes = [256, 512], strides = [1, 1]} : vector<256x1024xf32> to vector<256x512xf32>
    %slice3A_36 = vector.extract_strided_slice %min3A_34 {offsets = [0, 512], sizes = [256, 512], strides = [1, 1]} : vector<256x1024xf32> to vector<256x512xf32>
    %min3A_37 = arith.minimumf %slice3A_35, %slice3A_36 : vector<256x512xf32>
    %slice3A_38 = vector.extract_strided_slice %min3A_37 {offsets = [0, 0], sizes = [256, 256], strides = [1, 1]} : vector<256x512xf32> to vector<256x256xf32>
    %slice3A_39 = vector.extract_strided_slice %min3A_37 {offsets = [0, 256], sizes = [256, 256], strides = [1, 1]} : vector<256x512xf32> to vector<256x256xf32>
    %min3A_40 = arith.minimumf %slice3A_38, %slice3A_39 : vector<256x256xf32>
    %slice3A_41 = vector.extract_strided_slice %min3A_40 {offsets = [0, 0], sizes = [256, 128], strides = [1, 1]} : vector<256x256xf32> to vector<256x128xf32>
    %slice3A_42 = vector.extract_strided_slice %min3A_40 {offsets = [0, 128], sizes = [256, 128], strides = [1, 1]} : vector<256x256xf32> to vector<256x128xf32>
    %min3A_43 = arith.minimumf %slice3A_41, %slice3A_42 : vector<256x128xf32>
    %slice3A_44 = vector.extract_strided_slice %min3A_43 {offsets = [0, 0], sizes = [256, 64], strides = [1, 1]} : vector<256x128xf32> to vector<256x64xf32>
    %slice3A_45 = vector.extract_strided_slice %min3A_43 {offsets = [0, 64], sizes = [256, 64], strides = [1, 1]} : vector<256x128xf32> to vector<256x64xf32>
    %min3A_46 = arith.minimumf %slice3A_44, %slice3A_45 : vector<256x64xf32>
    %swap3A_47 = arith.constant 0 : index
    %swap3A_48 = arith.constant 0 : index
    %swap3A_49 = vector.load %arg4[%swap3A_47, %swap3A_48] : memref<256x64xf32, #tpu.memory_space<vmem>>, vector<256x64xf32>
    tpu.vector_store %arg4[%swap3A_47, %swap3A_48], %min3A_46 {strides = array<i32>} : memref<256x64xf32, #tpu.memory_space<vmem>>, vector<256x64xf32>,
    return
  }
  func.func @transform_0(%arg0: i32) -> (i32, i32) {
    %c0_i32 = arith.constant 0 : i32
    %c0_i32_0 = arith.constant 0 : i32
    return %arg0, %c0_i32 : i32, i32
  }
  func.func @transform_1(%arg0: i32) -> (i32, i32) {
    %c0_i32 = arith.constant 0 : i32
    %c0_i32_0 = arith.constant 0 : i32
    %c0_i32_1 = arith.constant 0 : i32
    return %c0_i32, %c0_i32_0 : i32, i32
  }
  func.func @transform_2(%arg0: i32) -> (i32, i32) {
    %c0_i32 = arith.constant 0 : i32
    %c0_i32_0 = arith.constant 0 : i32
    return %arg0, %c0_i32 : i32, i32
  }
  func.func @transform_3(%arg0: i32) -> (i32, i32) {
    %c0_i32 = arith.constant 0 : i32
    %c0_i32_0 = arith.constant 0 : i32
    return %arg0, %c0_i32 : i32, i32
  }
}

module attributes {stable_mosaic.version = 14 : i64} {
  func.func @_thr_block(%arg0: i32, %arg1: memref<8192x64xf32, #tpu.memory_space<vmem>>, %arg2: memref<8192x16xf32, #tpu.memory_space<vmem>>) attributes {dimension_semantics = [#tpu.dimension_semantics<arbitrary>], iteration_bounds = array<i64: 1>, scalar_prefetch = 0 : i64, scratch_operands = 0 : i64, tpu.core_type = #tpu.core_type<tc>, window_params = [{pipeline_mode = #tpu.pipeline_mode<synchronous>, transform_indices = @transform_0, window_bounds = array<i64: 8192, 64>}, {pipeline_mode = #tpu.pipeline_mode<synchronous>, transform_indices = @transform_1, window_bounds = array<i64: 8192, 16>}]} {
    %get3A = arith.constant 0 : index
    %get3A_0 = arith.constant 0 : index
    %get3A_1 = vector.load %arg1[%get3A, %get3A_0] : memref<8192x64xf32, #tpu.memory_space<vmem>>, vector<8192x64xf32>
    %iota3A = tpu.iota {dimensions = array<i32: 1>} : vector<8192x64xi32>
    %broadcast_in_dim3A = arith.constant 0.000000e+00 : f32
    %broadcast_in_dim3A_2 = vector.broadcast %broadcast_in_dim3A : f32 to vector<8192x1xf32>
    %scan3A = arith.constant 0 : i32
    %scan3A_3 = arith.constant 33 : i32
    %scan3A_4 = arith.addi %scan3A, %scan3A_3 : i32
    %scan3A_5 = arith.constant 1 : i32
    %scan3A_6:2 = scf.for %scan3A_11 = %scan3A to %scan3A_4 step %scan3A_5 iter_args(%scan3A_12 = %get3A_1, %scan3A_13 = %broadcast_in_dim3A_2) -> (vector<8192x64xf32>, vector<8192x1xf32>)  : i32 {
      %reduce_min3A = arith.constant dense<0x7F800000> : vector<8192xf32>
      %reduce_min3A_14 = vector.multi_reduction <minimumf>, %scan3A_12, %reduce_min3A [1] : vector<8192x64xf32> to vector<8192xf32>
      %broadcast_in_dim3A_15 = vector.shape_cast %reduce_min3A_14 : vector<8192xf32> to vector<8192x1xf32>
      %eq3A = vector.broadcast %broadcast_in_dim3A_15 : vector<8192x1xf32> to vector<8192x64xf32>
      %eq3A_16 = arith.cmpf oeq, %scan3A_12, %eq3A : vector<8192x64xf32>
      %jit3A = arith.constant 1073741824 : i32
      %broadcast_in_dim3A_17 = vector.broadcast %jit3A : i32 to vector<8192x64xi32>
      %select_n3A = arith.select %eq3A_16, %iota3A, %broadcast_in_dim3A_17 : vector<8192x64xi1>, vector<8192x64xi32>
      %reduce_min3A_18 = arith.constant dense<2147483647> : vector<8192xi32>
      %reduce_min3A_19 = vector.multi_reduction <minsi>, %select_n3A, %reduce_min3A_18 [1] : vector<8192x64xi32> to vector<8192xi32>
      %broadcast_in_dim3A_20 = vector.shape_cast %reduce_min3A_19 : vector<8192xi32> to vector<8192x1xi32>
      %eq3A_21 = vector.broadcast %broadcast_in_dim3A_20 : vector<8192x1xi32> to vector<8192x64xi32>
      %eq3A_22 = arith.cmpi eq, %iota3A, %eq3A_21 : vector<8192x64xi32>
      %jit3A_23 = arith.constant 3.000000e+38 : f32
      %broadcast_in_dim3A_24 = vector.broadcast %jit3A_23 : f32 to vector<8192x64xf32>
      %select_n3A_25 = arith.select %eq3A_22, %broadcast_in_dim3A_24, %scan3A_12 : vector<8192x64xi1>, vector<8192x64xf32>
      scf.yield %select_n3A_25, %broadcast_in_dim3A_15 : vector<8192x64xf32>, vector<8192x1xf32>
    }
    %broadcast_in_dim3A_7 = vector.shape_cast %scan3A_6#1 : vector<8192x1xf32> to vector<8192x1xf32>
    %broadcast_in_dim3A_8 = vector.broadcast %broadcast_in_dim3A_7 : vector<8192x1xf32> to vector<8192x16xf32>
    %swap3A = arith.constant 0 : index
    %swap3A_9 = arith.constant 0 : index
    %swap3A_10 = vector.load %arg2[%swap3A, %swap3A_9] : memref<8192x16xf32, #tpu.memory_space<vmem>>, vector<8192x16xf32>
    tpu.vector_store %arg2[%swap3A, %swap3A_9], %broadcast_in_dim3A_8 {strides = array<i32>} : memref<8192x16xf32, #tpu.memory_space<vmem>>, vector<8192x16xf32>,
    return
  }
  func.func @transform_0(%arg0: i32) -> (i32, i32) {
    %c0_i32 = arith.constant 0 : i32
    %c0_i32_0 = arith.constant 0 : i32
    %c0_i32_1 = arith.constant 0 : i32
    return %c0_i32, %c0_i32_0 : i32, i32
  }
  func.func @transform_1(%arg0: i32) -> (i32, i32) {
    %c0_i32 = arith.constant 0 : i32
    %c0_i32_0 = arith.constant 0 : i32
    %c0_i32_1 = arith.constant 0 : i32
    return %c0_i32, %c0_i32_0 : i32, i32
  }
}

module attributes {stable_mosaic.version = 14 : i64} {
  func.func @_emb_block(%arg0: i32, %arg1: memref<512x48xf32, #tpu.memory_space<vmem>>, %arg2: memref<512x32x64xf32, #tpu.memory_space<vmem>>) attributes {dimension_semantics = [#tpu.dimension_semantics<arbitrary>], iteration_bounds = array<i64: 16>, scalar_prefetch = 0 : i64, scratch_operands = 0 : i64, tpu.core_type = #tpu.core_type<tc>, window_params = [{transform_indices = @transform_0, window_bounds = array<i64: 512, 48>}, {transform_indices = @transform_1, window_bounds = array<i64: 512, 32, 64>}]} {
    %get3A = arith.constant 0 : index
    %get3A_0 = arith.constant 0 : index
    %get3A_1 = vector.load %arg1[%get3A, %get3A_0] : memref<512x48xf32, #tpu.memory_space<vmem>>, vector<512x48xf32>
    %slice3A = vector.extract_strided_slice %get3A_1 {offsets = [0, 1], sizes = [512, 32], strides = [1, 1]} : vector<512x48xf32> to vector<512x32xf32>
    %iota3A = tpu.iota {dimensions = array<i32: 2>} : vector<1x1x64xi32>
    %convert_element_type3A = arith.sitofp %iota3A : vector<1x1x64xi32> to vector<1x1x64xf32>
    %mul3A = arith.constant 0.0777777805 : f32
    %mul3A_2 = vector.broadcast %mul3A : f32 to vector<1x1x64xf32>
    %mul3A_3 = arith.mulf %convert_element_type3A, %mul3A_2 : vector<1x1x64xf32>
    %add3A = arith.constant 1.000000e-01 : f32
    %add3A_4 = vector.broadcast %add3A : f32 to vector<1x1x64xf32>
    %add3A_5 = arith.addf %add3A_4, %mul3A_3 : vector<1x1x64xf32>
    %mul3A_6 = arith.mulf %add3A_5, %add3A_5 : vector<1x1x64xf32>
    %div3A = arith.constant 5.000000e-01 : f32
    %div3A_7 = vector.broadcast %div3A : f32 to vector<1x1x64xf32>
    %div3A_8 = arith.divf %div3A_7, %mul3A_6 : vector<1x1x64xf32>
    %broadcast_in_dim3A = vector.shape_cast %slice3A : vector<512x32xf32> to vector<512x32x1xf32>
    %neg3A = arith.constant 0.000000e+00 : f32
    %neg3A_9 = vector.broadcast %neg3A : f32 to vector<512x32x1xf32>
    %neg3A_10 = arith.subf %neg3A_9, %broadcast_in_dim3A : vector<512x32x1xf32>
    %mul3A_11 = vector.broadcast %neg3A_10 : vector<512x32x1xf32> to vector<512x32x64xf32>
    %mul3A_12 = vector.broadcast %div3A_8 : vector<1x1x64xf32> to vector<512x32x64xf32>
    %mul3A_13 = arith.mulf %mul3A_11, %mul3A_12 : vector<512x32x64xf32>
    %exp3A = math.exp %mul3A_13 : vector<512x32x64xf32>
    %swap3A = arith.constant 0 : index
    %swap3A_14 = arith.constant 0 : index
    %swap3A_15 = arith.constant 0 : index
    %swap3A_16 = vector.load %arg2[%swap3A, %swap3A_14, %swap3A_15] : memref<512x32x64xf32, #tpu.memory_space<vmem>>, vector<512x32x64xf32>
    tpu.vector_store %arg2[%swap3A, %swap3A_14, %swap3A_15], %exp3A {strides = array<i32>} : memref<512x32x64xf32, #tpu.memory_space<vmem>>, vector<512x32x64xf32>,
    return
  }
  func.func @transform_0(%arg0: i32) -> (i32, i32) {
    %c0_i32 = arith.constant 0 : i32
    %c0_i32_0 = arith.constant 0 : i32
    return %arg0, %c0_i32 : i32, i32
  }
  func.func @transform_1(%arg0: i32) -> (i32, i32, i32) {
    %c0_i32 = arith.constant 0 : i32
    %c0_i32_0 = arith.constant 0 : i32
    %c0_i32_1 = arith.constant 0 : i32
    return %arg0, %c0_i32, %c0_i32_0 : i32, i32, i32
  }
}

</mosaic_0001>

<sc_bundles>
// kernel: kernel.6.cloned.1.call-start
scs
__scs_entry_jumppad:
0x0: {  	(pc) =	sbr.rel $0x88, $3  }
0x1: {  	(tag) =	ssettag $0x0;
	lr =	simm.s32 $0x1  }
0x2: {  	[smem:$0x3FA0] =	sst lr;
	_ =	strace $0xD0000000  }
0x3: {  	_ = 	snop  }
0x4: {  	_ = 	snop  }
0x5: {  	_ = 	snop  }
0x6: {  	_ = 	snop  }
0x7: {  	_ = 	snop  }
__scs_overlays_trampoline_lowered:
0x8: {  	[smem:$0x3FAF] =	sst s0  }
0x9: {  	[smem:$0x3FB0] =	sst s1  }
0xa: {  	[smem:$0x3FB1] =	sst s2  }
0xb: {  	[smem:$0x3FB2] =	sst s3  }
0xc: {  	[smem:$0x3FB3] =	sst s4  }
0xd: {  	[smem:$0x3FB4] =	sst s5  }
0xe: {  	[smem:$0x3FB5] =	sst s6  }
0xf: {  	[smem:$0x3FB6] =	sst s7  }
0x10: {  	[smem:$0x3FB7] =	sst s8  }
0x11: {  	[smem:$0x3FB8] =	sst s9;
	s0 =	simm.s32 @!p0 $0x0  }
0x12: {  	s1 =	sld [smem:$0x3F9E];
	s0 =	simm.s32 @p0 $0x1  }
0x13: {  	[smem:$0x3FB9] =	sst s0;
	s0 =	simm.s32 @!p1 $0x0  }
0x14: {  	s2 =	sld [smem:$0x3F9D];
	s0 =	simm.s32 @p1 $0x1  }
0x15: {  	[smem:$0x3FBA] =	sst s0;
	s0 =	simm.s32 @!p2 $0x0  }
0x16: {  	s3 =	sld [smem:$0x3FDB];
	s0 =	simm.s32 @p2 $0x1  }
0x17: {  	s4 =	simm.s32 $0x1BF5;
	[smem:$0x3FBC] =	sst s0  }
0x18: {  	s0 =	sld [smem:$0x3F9F];
	_ =	swait.ge [sflag:s4], $0x0  }
0x19: {  	s7 =	sld [smem:$0x3FA0]  }
0x1a: {  	s8 =	sadd.s32 $0xFFFFE003, lr  }
0x1b: {  	s9 =	sadd.s32 $0xFFFFFEF7, lr;
	s5 =	simm.s32 $0xFFFFFFFF;
	p2 =	slt.u32 s8, $0xFFFFF086  }
0x1c: {  	p1 =	slt.u32 s9, $0xF7A;
	s5 =	simm.s32 @!p2 $0x0  }
0x1d: {  	s5 =	simm.s32 @p1 $0x1;
	p0 =	seq.s32 s7, s2  }
0x1e: {  	s7 =	smul.u32 @!p0 $0xF7A, s2;
	p2 =	seq.s32 @!p0 s5, $0x0  }
0x1f: {  	s9 =	smul.u32 $0xF7A, s1;
	s8 =	simm.s32 @!p0 $0x1BF5;
	p2 =	por !p2, p0  }
0x20: {  	[sflag:s8] =	ssyncset.s32 @!p0 $0xFFFFF086;
	s6 =	sadd.s32 @!p0 s3, s7;
	s7 =	simm.s32 @!p0 $0x108  }
0x21: {  	s3 =	sadd.s32 s3, s9;
	s6 =	sadd.s32 @!p0 $0x88, s6;
	s7 =	simm.s32 @p2 $0x1082  }
0x22: {  	[simem:s7], [sflag:s8] =	dma.local @!p0 [hbm:s6], $0xF7A  }
0x23: {  	s9 =	sor.u32 $0xD0000000, s2;
	s6 =	simm.s32 $0x108;
	_ =	swait.ge @!p0 [sflag:s8], $0x0  }
0x24: {  	s3 =	sadd.s32 $0x88, s3;
	s6 =	simm.s32 @!p1 $0x1082;
	[sflag:s4] =	ssyncset.s32 $0xFFFFF086  }
0x25: {  	[simem:s6], [sflag:s4] =	dma.local [hbm:s3], $0xF7A  }
0x26: {  	[smem:$0x3FA0] =	sst s1;
	(tag) =	ssettag s2;
	_ =	strace s9  }
0x27: {  	s1 =	sld [smem:$0x3FB0]  }
0x28: {  	s2 =	sld [smem:$0x3FB1]  }
0x29: {  	s4 =	sld [smem:$0x3FB3]  }
0x2a: {  	p0 =	seq.s32 s5, $0x0;
	s5 =	sld [smem:$0x3FB4]  }
0x2b: {  	s6 =	sld [smem:$0x3FB5]  }
0x2c: {  	s7 =	sld [smem:$0x3FB6]  }
0x2d: {  	s3 =	simm.s32 $0x108;
	s8 =	sld [smem:$0x3FB7]  }
0x2e: {  	s3 =	simm.s32 @!p0 $0x1082;
	s9 =	sld [smem:$0x3FB8]  }
0x2f: {  	lr =	sadd.s32 s0, s3;
	s0 =	sld [smem:$0x3FAF]  }
0x30: {  	s3 =	sld [smem:$0x3FB2]  }
0x31: {  	[smem:$0x3FBB] =	sst s10  }
0x32: {  	s10 =	sld [smem:$0x3FB9];
	_ =	sdelay $0x3  }
0x33: {  	p0 =	seq.s32 s10, $0x1;
	s10 =	sld [smem:$0x3FBB];
	_ =	sdelay $0x3  }
0x34: {  	[smem:$0x3FBB] =	sst s10  }
0x35: {  	s10 =	sld [smem:$0x3FBA];
	_ =	sdelay $0x3  }
0x36: {  	p1 =	seq.s32 s10, $0x1;
	s10 =	sld [smem:$0x3FBB];
	_ =	sdelay $0x3  }
0x37: {  	[smem:$0x3FBB] =	sst s10  }
0x38: {  	s10 =	sld [smem:$0x3FBC]  }
0x39: {  	_ = 	snop;
	(pc) =	sbr.ind lr, $3  }
0x3a: {  	_ = 	snop  }
0x3b: {  	_ = 	snop  }
0x3c: {  	p2 =	seq.s32 s10, $0x1;
	s10 =	sld [smem:$0x3FBB]  }
0x3d: {  	_ =	shalt  }
0x3e: {  	_ =	shalt  }
0x3f: {  	_ =	shalt  }
0x40: {  	_ =	shalt  }
0x41: {  	_ =	shalt  }
0x42: {  	_ =	shalt  }
0x43: {  	_ =	shalt  }
0x44: {  	_ =	shalt  }
0x45: {  	_ =	shalt  }
0x46: {  	_ =	shalt  }
0x47: {  	_ =	shalt  }
0x48: {  	_ =	shalt  }
0x49: {  	_ =	shalt  }
0x4a: {  	_ =	shalt  }
0x4b: {  	_ =	shalt  }
0x4c: {  	_ =	shalt  }
0x4d: {  	_ =	shalt  }
0x4e: {  	_ =	shalt  }
0x4f: {  	_ =	shalt  }
0x50: {  	_ =	shalt  }
0x51: {  	_ =	shalt  }
0x52: {  	_ =	shalt  }
0x53: {  	_ =	shalt  }
0x54: {  	_ =	shalt  }
0x55: {  	_ =	shalt  }
0x56: {  	_ =	shalt  }
0x57: {  	_ =	shalt  }
0x58: {  	_ =	shalt  }
0x59: {  	_ =	shalt  }
0x5a: {  	_ =	shalt  }
0x5b: {  	_ =	shalt  }
0x5c: {  	_ =	shalt  }
0x5d: {  	_ =	shalt  }
0x5e: {  	_ =	shalt  }
0x5f: {  	_ =	shalt  }
0x60: {  	_ =	shalt  }
0x61: {  	_ =	shalt  }
0x62: {  	_ =	shalt  }
0x63: {  	_ =	shalt  }
0x64: {  	_ =	shalt  }
0x65: {  	_ =	shalt  }
0x66: {  	_ =	shalt  }
0x67: {  	_ =	shalt  }
0x68: {  	_ =	shalt  }
0x69: {  	_ =	shalt  }
0x6a: {  	_ =	shalt  }
0x6b: {  	_ =	shalt  }
0x6c: {  	_ =	shalt  }
0x6d: {  	_ =	shalt  }
0x6e: {  	_ =	shalt  }
0x6f: {  	_ =	shalt  }
0x70: {  	_ =	shalt  }
0x71: {  	_ =	shalt  }
0x72: {  	_ =	shalt  }
0x73: {  	_ =	shalt  }
0x74: {  	_ =	shalt  }
0x75: {  	_ =	shalt  }
0x76: {  	_ =	shalt  }
0x77: {  	_ =	shalt  }
0x78: {  	_ =	shalt  }
0x79: {  	_ =	shalt  }
0x7a: {  	_ =	shalt  }
0x7b: {  	_ =	shalt  }
0x7c: {  	_ =	shalt  }
0x7d: {  	_ =	shalt  }
0x7e: {  	_ =	shalt  }
0x7f: {  	_ =	shalt  }
0x80: {  	_ =	shalt  }
0x81: {  	_ =	shalt  }
0x82: {  	_ =	shalt  }
0x83: {  	_ =	shalt  }
0x84: {  	_ =	shalt  }
0x85: {  	_ =	shalt  }
0x86: {  	_ =	shalt  }
0x87: {  	_ =	shalt  }
.Lfunc_end0:
.L_simem_size_0:
called_computation.1_lowered:
.L_overlay_start_0:
0x88: {  	s2 =	sld [smem:$0x3FD9]  }
0x89: {  	s3 =	sld [smem:$0x3FFE];
	_ =	sdelay $0x1  }
0x8a: {  	s1 =	srdreg.scid  }
0x8b: {  	s0 =	sand.u32 $0x1, s1  }
0x8c: {  	s14 =	sshll.u32 s0, $0xA;
	s2 =	sadd.s32 s3, s2  }
0x8d: {  	s2 =	sadd.s32 s2, s14  }
0x8e: {  	[smem:$0x3FC7] =	sst s2  }
0x8f: {  	_ = 	snop  }
0x90: {  	s2 =	sld [smem:$0x3FD0];
	_ =	sdelay $0x2  }
0x91: {  	s15 =	simm.s32 $0xA;
	s4 =	simm.s32 $0x10  }
0x92: {  	[smem:s4], [sflag:s15] =	dma.local [hbm:s2], $0x1  }
0x93: {  	_ =	swait.eq [sflag:s15], $0x1  }
0x94: {  	[sflag:s15] =	ssyncset.done $0x0  }
0x95: {  	[sflag:s15] =	ssyncadd.s32 $0xFFFFFFFF  }
0x96: {  	s16 =	sld [smem:$0x10];
	(tm) =	ssettm $0x1  }
0x97: {  	s17 =	sld [smem:$0x3FFB];
	_ =	sdelay $0x3  }
0x98: {  	_ =	strace s17  }
0x99: {  	s3 =	sld [smem:$0x3FFC];
	_ =	sdelay $0x3  }
0x9a: {  	_ =	strace s3  }
0x9b: {  	s3 =	sld [smem:$0x3FFD];
	_ =	sdelay $0x3  }
0x9c: {  	_ =	strace s3  }
0x9d: {  	_ =	strace $0x8FFFFFFF  }
0x9e: {  	s18 =	sld [smem:$0x3FDB];
	_ =	sdelay $0x1  }
0x9f: {  	s19 =	simm.s32 $_scs_section_size  }
0xa0: {  	s5 =	simm.s32 $_size__tile_overlayer_lowered;
	s6 =	simm.s32 $_tile_overlayer_lowered  }
0xa1: {  	s22 =	simm.s32 $0x1BFF;
	s21 =	sshll.u32 s6, $0x1;
	s3 =	sadd.s32 s19, s18  }
0xa2: {  	s7 =	simm.s32 $0x0;
	s20 =	sshll.u32 s5, $0x1;
	s5 =	sadd.s32 s21, s3  }
0xa3: {  	[timem:s7], [sflag:s22] =	dma.local [hbm:s5], s20  }
0xa4: {  	_ =	swait.ge [sflag:s22], s20  }
0xa5: {  	s4 =	ssub.s32 $0x0, s20;
	[sflag:s22] =	ssyncset.done $0x0  }
0xa6: {  	[sflag:s22] =	ssyncadd.s32 s4;
	_ =	sdelay $0x1  }
0xa7: {  	s23 =	simm.s32 $0x1B8B  }
0xa8: {  	_ =	swait.ge [sflag:s23], $0x1  }
0xa9: {  	[sflag:s23] =	ssyncset.done $0x0  }
0xaa: {  	s25 =	simm.s32 $0x1B8E;
	s24 =	sld [smem:$0x3FFE];
	[sflag:s23] =	ssyncadd.s32 $0xFFFFFFFF  }
0xab: {  	s26 =	simm.s32 $execute0_lowered;
	[smem:$0x3FD2] =	sst s25  }
0xac: {  	s5 =	sshll.u32 s26, $0x1;
	_ =	strace $0x80000046;
	[dreg:$0x1] =	wrdreg $0xFFFFFFFF  }
0xad: {  	s28 =	simm.s32 $_size_execute0_lowered;
	s3 =	sadd.s32 s3, s5;
	[dreg:$0x0] =	wrdreg $0x0  }
0xae: {  	s5 =	sshll.u32 s28, $0x1;
	[dreg:$0x2] =	wrdreg s3  }
0xaf: {  	[dreg:$0x3] =	wrdreg s5  }
0xb0: {  	[dreg:$0x4] =	wrdreg $0xC0  }
0xb1: {  	_ =	task [dreg:s7], $0x5FFFF  }
0xb2: {  	[dreg:$0x1] =	wrdreg $0xFFFFFFFF  }
0xb3: {  	[dreg:$0x0] =	wrdreg $0x60  }
0xb4: {  	[dreg:$0x2] =	wrdreg s24  }
0xb5: {  	[dreg:$0x3] =	wrdreg s16  }
0xb6: {  	[dreg:$0x4] =	wrdreg $0x9  }
0xb7: {  	_ =	task.clear_ibuf [dreg:s7], $0x5FFFF;
	_ =	strace $0x90000046  }
0xb8: {  	s29 =	simm.s32 $0x9;
	_ =	strace $0x80000048  }
0xb9: {  	_ =	swait.ge [sflag:s29], $0x1  }
0xba: {  	[sflag:s29] =	ssyncadd.s32 $0xFFFFFFFF  }
0xbb: {  	_ =	strace $0x90000048  }
0xbc: {  	_ =	sfence  }
0xbd: {  	s30 =	sld [smem:$0x0];
	_ =	sdelay $0x2  }
0xbe: {  	s31 =	sshll.u32 s1, $0xD;
	s1 =	sshrl.u32 s1, $0x2  }
0xbf: {  	s3 =	sand.u32 $0x4000, s31;
	s1 =	sadd.s32 s1, s30  }
0xc0: {  	s0 =	sor.u32 s3, s0;
	s1 =	sshll.u32 s1, $0x11  }
0xc1: {  	s0 =	sor.u32 s1, s0  }
0xc2: {  	s0 =	sadd.s32 $0x8F2B, s0  }
0xc3: {  	[sflag:s0] =	ssyncadd.remote.s32 $0x1  }
0xc4: {  	_ =	sfence.sel $0xFFFF  }
0xc5: {  	[dreg:$0x0] =	wrdreg $0xFFFFFFFF;
	(pc) =	sbr.abs _section_cstart, $3  }
0xc6: {  	[dreg:$0x1] =	wrdreg $0xFFFFFFFF  }
0xc7: {  	_ =	task.clear_ibuf [dreg:s7], $0x2FFFF;
	_ =	strace $0x9FFFFFFF  }
0xc8: {  	(tm) =	ssettm $0x7FFFFFFF  }
0xc9: {  	_ =	shalt  }
tec
execute0_lowered:
.L_overlay_start_1:
0x0: {  	(tag) =	ssettag $0x1  }
0x1: {  	s5 =	rddreg [dreg:$0x0]  }
0x2: {  	s7 =	rddreg [dreg:$0x1]  }
0x3: {  	s1 =	simm.s32 $0x0;
	s6 =	srdreg.scid;
	s2 =	stileid.u32  }
0x4: {  	s11 =	simm.s32 $0xB;
	s12 =	simm.s32 $0xC100;
	s13 =	simm.s32 $0x3  }
0x5: {  	s14 =	simm.s32 $0x7;
	s15 =	simm.s32 $0x4;
	s16 =	simm.s32 $0x8  }
0x6: {  	s17 =	simm.s32 $0x5;
	s18 =	simm.s32 $0x9;
	s19 =	simm.s32 $0x6  }
0x7: {  	s20 =	simm.s32 $0xA;
	s21 =	simm.s32 $0x0;
	[smem:$0x7FF] =	sst s1  }
0x8: {  	s3 =	sadd.s32 $0x1800, s5;
	s4 =	sadd.s32 $0x801800, s5;
	s6 =	sand.u32 $0x1, s6  }
.Ltmp0:
0x9: {  	s9 =	sshll.u32 s2, $0x9;
	s8 =	ssub.s32 $0x2, s6;
	(pc) =	sbr.rel .LBB2_1-.Ltmp0, $4  }
0xa: {  	v0 =	vlaneseq.u32;
	s5 =	sadd.s32 $0x821800, s5;
	s6 =	sshll.u32 s6, $0x8;
	s10 =	sshrl.u32 s8, $0x1  }
0xb: {  	v4 =	vmul.u32 $0xFFFFFFFF, v0;
	_ =	strace $0x80000047;
	s6 =	sor.u32 s6, s9;
	s29 =	ssub.s32 s8, s10  }
0xc: {  	v1 =	vimm.f32 $3.000000010e+38;
	s30 =	sshll.u32 s6, $0x4;
	s31 =	sshll.u32 s6, $0xA;
	s10 =	simm.s32 $0x4100  }
0xd: {  	v2 =	vimm.s32 $0x2000;
	v3 =	vimm.s32 $0x0;
	v4 =	vadd.s32 $0xF, v4;
	s7 =	sadd.s32 s7, s30;
	s8 =	sadd.s32 s3, s31;
	s9 =	smax.u32 s29, $0x1  }
.LBB2_21:
0xe: {  	_ =	swait.ge [sflag:s13], $0x80  }
0xf: {  	[sflag:s13] =	ssyncset.done $0x0  }
0x10: {  	[sflag:s13] =	ssyncadd.s32 $0xFFFFFF80  }
0x11: {  	_ =	swait.ge [sflag:s14], $0x80  }
0x12: {  	[sflag:s14] =	ssyncset.done $0x0  }
0x13: {  	[sflag:s14] =	ssyncadd.s32 $0xFFFFFF80  }
0x14: {  	_ =	swait.ge [sflag:s15], $0x80  }
0x15: {  	[sflag:s15] =	ssyncset.done $0x0  }
0x16: {  	[sflag:s15] =	ssyncadd.s32 $0xFFFFFF80  }
0x17: {  	_ =	swait.ge [sflag:s16], $0x80  }
0x18: {  	[sflag:s16] =	ssyncset.done $0x0  }
0x19: {  	[sflag:s16] =	ssyncadd.s32 $0xFFFFFF80  }
0x1a: {  	_ =	swait.ge [sflag:s17], $0x80  }
0x1b: {  	[sflag:s17] =	ssyncset.done $0x0  }
0x1c: {  	[sflag:s17] =	ssyncadd.s32 $0xFFFFFF80  }
0x1d: {  	_ =	swait.ge [sflag:s18], $0x80  }
0x1e: {  	[sflag:s18] =	ssyncset.done $0x0  }
0x1f: {  	s21 =	sadd.s32 $0x1, s21;
	[sflag:s18] =	ssyncadd.s32 $0xFFFFFF80  }
0x20: {  	p0 =	sne.s32 s21, s9;
	_ =	swait.ge [sflag:s19], $0x80  }
.Ltmp1:
0x21: {  	[sflag:s19] =	ssyncset.done $0x0;
	(pc) =	sbr.rel @!p0 .LBB2_22-.Ltmp1, $4  }
0x22: {  	[sflag:s19] =	ssyncadd.s32 $0xFFFFFF80  }
0x23: {  	_ =	swait.ge [sflag:s20], $0x80  }
0x24: {  	[sflag:s20] =	ssyncset.done $0x0  }
0x25: {  	[sflag:s20] =	ssyncadd.s32 $0xFFFFFF80  }
.LBB2_1:
0x26: {  	[tilespmem:s10], [sflag:$0xB] =	stream.linear.gather [hbm4b:s7+s1], $0x8000, $0x38;
	[tilespmem:$0xC680] =	vst v63  }
0x27: {  	_ =	swait.ge [sflag:s11], $0x8000  }
0x28: {  	[sflag:s11] =	ssyncset.done $0x0  }
0x29: {  	[sflag:s11] =	ssyncadd.s32 $0xFFFF8000  }
0x2a: {  	[tilespmem:$0x4000] =	vst v1  }
0x2b: {  	s22 =	simm.s32 $0x0;
	s24 =	simm.s32 $0x0;
	[tilespmem:$0x4080] =	vst v1  }
.LBB2_2:
0x2c: {  	p0 =	sne.s32 s24, $0x1F80  }
.Ltmp2:
0x2d: {  	_ = 	snop;
	(pc) =	sbr.rel @p0 .LBB2_2-.Ltmp2, $4  }
0x2e: {  	_ = 	snop  }
0x2f: {  	s25 =	sadd.s32 s24, s8;
	s23 =	simm.s32 $0x0  }
0x30: {  	[tilespmem:s22], [sflag:$0x1] =	stream.linear.gather [hbm4b:s25+s23], $0x80, $0x38;
	[tilespmem:$0xC680] =	vst v63  }
0x31: {  	s24 =	sadd.s32 $0x80, s24;
	s22 =	sadd.s32 $0x100, s22  }
.Ltmp3:
0x32: {  	(pc) =	sbr.rel .LBB2_4-.Ltmp3, $2  }
0x33: {  	_ =	sdelay $0x2  }
0x34: {  	p0 =	por $0x1, $0x1;
	p1 =	por $0x0, $0x0  }
.LBB2_11:
0x35: {  	v8 =	vimm.s32 $0x0  }
0x36: {  	v10 =	vimm.f32 $3.000000010e+38;
	v9 =	vimm.f32 $3.000000010e+38;
	v7 =	vimm.s32 $0x0  }
.LBB2_20:
0x37: {  	p2 =	slt.u32 s23, $0x4  }
0x38: {  	s0 =	sand.u32 @!p2 $0x3, s23  }
0x39: {  	s24 =	sadd.s32 @!p2 $0x3, s0  }
0x3a: {  	_ =	swait.ge @!p2 [sflag:s24], $0x80  }
0x3b: {  	[sflag:s24] =	ssyncset.done @!p2 $0x0  }
0x3c: {  	[sflag:s24] =	ssyncadd.s32 @!p2 $0xFFFFFF80;
	s24 =	sadd.s32 @!p2 $0x7, s0  }
0x3d: {  	_ =	swait.ge @!p2 [sflag:s24], $0x80  }
0x3e: {  	s0 =	smov.u32 @p2 s23;
	[sflag:s24] =	ssyncset.done @!p2 $0x0  }
0x3f: {  	s29 =	sshll.u32 s0, $0x7;
	[sflag:s24] =	ssyncadd.s32 @!p2 $0xFFFFFF80  }
0x40: {  	[tilespmem:s29+$0xC280] =	vst v6  }
0x41: {  	s25 =	sadd.s32 s6, s23;
	[tilespmem:s29+$0xC290] =	vst v10  }
0x42: {  	s30 =	sshll.u32 s23, $0x4;
	s25 =	sshll.u32 s25, $0x4;
	[tilespmem:s29+$0xC2A0] =	vst v9  }
0x43: {  	s25 =	sand.u32 $0x1FF80, s25;
	s23 =	sand.u32 $0x70, s30;
	[tilespmem:s29+$0xC480] =	vst v5  }
0x44: {  	s23 =	sor.u32 s23, s25;
	s26 =	sadd.s32 $0x3, s0;
	p2 =	sne.s32 s22, $0x100;
	[tilespmem:s29+$0xC490] =	vst v8  }
.Ltmp4:
0x45: {  	s31 =	sadd.s32 $0xC280, s29;
	s28 =	sadd.s32 s4, s23;
	[tilespmem:s29+$0xC4A0] =	vst v7;
	(pc) =	sbr.rel @!p2 .LBB2_21-.Ltmp4, $4  }
0x46: {  	[hbm4b:s28+s1] =	stream.linear.scatter [tilespmem:s31], [sflag:s26], $0x80, $0x38;
	[tilespmem:$0xC680] =	vst v63  }
0x47: {  	s0 =	sadd.s32 $0x7, s0;
	s23 =	sadd.s32 s5, s23;
	s24 =	sadd.s32 $0xC480, s29  }
0x48: {  	[hbm4b:s23+s1] =	stream.linear.scatter [tilespmem:s24], [sflag:s0], $0x80, $0x38;
	[tilespmem:$0xC680] =	vst v63  }
0x49: {  	p0 =	por !p0, !p0;
	p1 =	por !p1, !p1;
	s23 =	smov.u32 s22  }
.LBB2_4:
0x4a: {  	p2 =	seq.s32 s23, $0xFF  }
.Ltmp5:
0x4b: {  	_ = 	snop;
	(pc) =	sbr.rel @p2 .LBB2_8-.Ltmp5, $2  }
0x4c: {  	_ =	sdelay $0x2  }
0x4d: {  	s22 =	sadd.s32 $0x1, s23  }
0x4e: {  	s24 =	simm.s32 $0x1;
	s25 =	sadd.s32 s6, s22;
	s26 =	sshll.u32 s22, $0x4  }
0x4f: {  	s28 =	sand.u32 $0x1, s22;
	s25 =	sshll.u32 s25, $0xA;
	s26 =	sand.u32 $0x70, s26  }
0x50: {  	s24 =	simm.s32 @!p0 $0x0;
	s29 =	sand.u32 $0xFFE000, s25;
	s26 =	sadd.s32 s3, s26  }
0x51: {  	s25 =	sshll.u32 s24, $0x7;
	s24 =	sadd.s32 $0x1, s28;
	s26 =	sadd.s32 s29, s26  }
0x52: {  	s28 =	simm.s32 $0x80;
	s29 =	sadd.s32 $0x100, s25;
	s30 =	sadd.s32 $0x0, s26  }
.LBB2_6:
0x53: {  	[tilespmem:s25], [sflag:s24] =	stream.linear.gather [hbm4b:s30+s1], $0x80, $0x38;
	[tilespmem:$0xC680] =	vst v63  }
0x54: {  	s30 =	smov.u32 s28;
	s25 =	smov.u32 s29;
	p2 =	sne.s32 s28, $0x1F80  }
.Ltmp6:
0x55: {  	s28 =	sadd.s32 $0x80, s28;
	(pc) =	sbr.rel @p2 .LBB2_6-.Ltmp6, $2  }
0x56: {  	_ =	sdelay $0x2  }
0x57: {  	s29 =	sadd.s32 $0x100, s29;
	s30 =	sadd.s32 s30, s26  }
0x58: {  	[tilespmem:s25], [sflag:s24] =	stream.linear.gather [hbm4b:s30+s1], $0x80, $0x38;
	[tilespmem:$0xC680] =	vst v63  }
.LBB2_8:
0x59: {  	s24 =	sand.u32 $0x1, s23  }
0x5a: {  	s25 =	sadd.s32 $0x1, s24  }
0x5b: {  	_ =	swait.ge [sflag:s25], $0x2000  }
0x5c: {  	s26 =	sshll.u32 s23, $0x7;
	[sflag:s25] =	ssyncset.done $0x0  }
0x5d: {  	s31 =	sand.u32 $0x3FFFFF80, s26;
	[sflag:s25] =	ssyncadd.s32 $0xFFFFE000  }
0x5e: {  	v5 =	vld [tilespmem:s31+$0x4100];
	[tilespmem:$0xC100] =	vst v2  }
0x5f: {  	[tilespmem:$0xC110] =	vst v2  }
0x60: {  	[tilespmem:$0xC120] =	vst v2  }
0x61: {  	[tilespmem:$0xC130] =	vst v2  }
0x62: {  	[tilespmem:$0xC140] =	vst v2  }
0x63: {  	[tilespmem:$0xC150] =	vst v2  }
0x64: {  	[tilespmem:$0xC160] =	vst v2  }
0x65: {  	[tilespmem:$0xC170] =	vst v2  }
0x66: {  	[tilespmem:$0xC180] =	vst v2  }
0x67: {  	[tilespmem:$0xC190] =	vst v2  }
0x68: {  	[tilespmem:$0xC1A0] =	vst v2  }
0x69: {  	[tilespmem:$0xC1B0] =	vst v2  }
0x6a: {  	[tilespmem:$0xC1C0] =	vst v2  }
0x6b: {  	[tilespmem:$0xC1D0] =	vst v2  }
0x6c: {  	[tilespmem:$0xC1E0] =	vst v2  }
0x6d: {  	[tilespmem:$0xC1F0] =	vst v2  }
0x6e: {  	[tilespmem:$0xC200] =	vst v2  }
0x6f: {  	[tilespmem:$0xC210] =	vst v2  }
0x70: {  	[tilespmem:$0xC220] =	vst v2  }
0x71: {  	[tilespmem:$0xC230] =	vst v2  }
0x72: {  	s25 =	simm.s32 $0x1;
	[tilespmem:$0xC240] =	vst v2  }
0x73: {  	s25 =	simm.s32 @!p1 $0x0;
	[tilespmem:$0xC250] =	vst v2  }
0x74: {  	[tilespmem:$0xC260] =	vst v2;
	s25 =	sshll.u32 s25, $0x7  }
0x75: {  	[tilespmem:$0xC270] =	vst v2;
	s29 =	sor.u32 $0x100, s25  }
0x76: {  	v6 =	vld [tilespmem:s29+$0xFFFFFF00]  }
0x77: {  	v8 =	vld [tilespmem:s29+$0x40]  }
0x78: {  	v9 =	vld [tilespmem:s29+$0x10]  }
0x79: {  	v10 =	vld [tilespmem:s29+$0xFFFFFF70]  }
0x7a: {  	v12 =	vld [tilespmem:s29+$0x50]  }
0x7b: {  	s28 =	simm.s32 $0xD0;
	v11 =	vld [tilespmem:s29+$0xFFFFFF60]  }
0x7c: {  	v17 =	vor.u32 s28, v0;
	s28 =	simm.s32 $0xE0;
	s31 =	simm.s32 $0xB0;
	v15 =	vld [tilespmem:s29+$0xFFFFFF10]  }
0x7d: {  	v13 =	vimm.s32 $0x0;
	v23 =	vor.u32 s28, v0;
	v21 =	vor.u32 s31, v0;
	s31 =	simm.s32 $0x0;
	s25 =	simm.s32 $0xF0;
	v16 =	vld [tilespmem:s29+$0xFFFFFF30]  }
0x7e: {  	s0 =	simm.s32 $0x90;
	v29 =	vor.u32 s31, v0;
	v7 =	vor.u32 s25, v0;
	v18 =	vld [tilespmem:s29+$0x20];
	vm11 =	vle.f32 v6, v5  }
0x7f: {  	v19 =	vld [tilespmem:s29+$0xFFFFFF40];
	v6 =	vor.u32 s0, v0;
	vm13 =	vle.f32 v12, v5;
	v14 =	vsel vm11, $0x1, v3  }
0x80: {  	v12 =	vimm.s32 $0x0;
	vm4 =	vle.f32 v10, v5;
	v14 =	vadd.s32 v14, v13  }
0x81: {  	vm1 =	vle.f32 v8, v5;
	vm15 =	vle.f32 v15, v5;
	vm0 =	vlt.s32 v14, $0x17  }
0x82: {  	vm3 =	vle.f32 v16, v5;
	v20 =	vnsel vm0, $0x17, v14;
	vm0 =	vle.f32 v11, v5  }
0x83: {  	s0 =	simm.s32 $0x10;
	vm8 =	vle.f32 v9, v5;
	vm7 =	vle.f32 v18, v5;
	v12 =	vsel vm0, $0xFFFFFFFF, v12  }
0x84: {  	vm2 =	vle.f32 v19, v5;
	v22 =	vor.u32 s0, v0;
	v10 =	vsel vm13, $0x1, v3;
	v11 =	vld [tilespmem:s29+$0x30];
	[tilespmem:$0x1FFE0] =	vst v12  }
0x85: {  	v25 =	vsel vm4, $0x1, v3;
	v15 =	vsel vm8, $0x1, v3;
	v16 =	vsel vm7, $0x1, v3;
	v24 =	vld [tilespmem:s29+$0xFFFFFF20]  }
0x86: {  	v9 =	vsel vm15, $0x1, v3;
	v12 =	vsel vm0, $0x1, v3;
	vm0 =	vlt.s32 v13, $0x17  }
0x87: {  	v58 =	vsel vm2, $0x1, v3;
	v20 =	vshll.u32 v20, $0x4;
	v8 =	vld [tilespmem:s29+$0xFFFFFF50];
	v13 =	vnsel vm0, $0x17, v13  }
0x88: {  	v27 =	vsel vm1, $0x1, v3;
	v20 =	vor.u32 v0, v20;
	v18 =	vld [tilespmem:s29+$0x0];
	v13 =	vshll.u32 v13, $0x4  }
0x89: {  	v26 =	vld [tilespmem:s29+$0x60];
	vm14 =	vle.f32 v11, v5;
	v11 =	vimm.s32 $0x0;
	v13 =	vor.u32 v0, v13  }
0x8a: {  	v19 =	vsel vm14, $0x1, v3;
	v11 =	vsel vm1, $0xFFFFFFFF, v11;
	vm6 =	vle.f32 v24, v5  }
0x8b: {  	[tilespmem:$0x1FFF0] =	vst v11;
	v11 =	vadd.s32 v9, v14;
	v14 =	vsel vm3, $0x1, v3;
	v9 =	vsel vm6, $0x1, v3  }
0x8c: {  	vm5 =	vle.f32 v8, v5;
	vm0 =	vlt.s32 v11, $0x17;
	v9 =	vadd.s32 v9, v11  }
0x8d: {  	vm9 =	vle.f32 v18, v5;
	v28 =	vsel vm5, $0x1, v3;
	v8 =	vadd.s32 v14, v9  }
0x8e: {  	v11 =	vnsel vm0, $0x17, v11;
	vm0 =	vle.f32 v26, v5;
	v14 =	vadd.s32 v58, v8  }
0x8f: {  	v59 =	vsel vm9, $0x1, v3;
	v26 =	vsel vm0, $0x1, v3;
	v18 =	vadd.s32 v28, v14  }
0x90: {  	vm12 =	vlt.s32 v9, $0x17;
	vm1 =	vlt.s32 v14, $0x17;
	v12 =	vadd.s32 v12, v18  }
0x91: {  	v60 =	vld [tilespmem:s29+$0x70];
	v14 =	vnsel vm1, $0x17, v14;
	vm1 =	vlt.s32 v12, $0x17;
	v25 =	vadd.s32 v25, v12  }
0x92: {  	v12 =	vnsel vm1, $0x17, v12;
	vm1 =	vlt.s32 v25, $0x17;
	v24 =	vadd.s32 v59, v25  }
0x93: {  	v25 =	vnsel vm1, $0x17, v25;
	vm1 =	vlt.s32 v24, $0x17;
	v15 =	vadd.s32 v15, v24  }
0x94: {  	v24 =	vnsel vm1, $0x17, v24;
	vm1 =	vlt.s32 v15, $0x17;
	v16 =	vadd.s32 v16, v15  }
0x95: {  	v15 =	vnsel vm1, $0x17, v15;
	vm1 =	vlt.s32 v16, $0x17;
	v19 =	vadd.s32 v19, v16  }
0x96: {  	vm10 =	vle.f32 v60, v5;
	v16 =	vnsel vm1, $0x17, v16;
	vm1 =	vlt.s32 v19, $0x17  }
0x97: {  	v61 =	vsel vm10, $0x1, v3;
	v27 =	vadd.s32 v27, v19;
	v19 =	vnsel vm1, $0x17, v19  }
0x98: {  	vm1 =	vlt.s32 v27, $0x17;
	v10 =	vadd.s32 v10, v27;
	v16 =	vshll.u32 v16, $0x4  }
0x99: {  	v27 =	vnsel vm1, $0x17, v27;
	vm1 =	vlt.s32 v10, $0x17;
	v26 =	vadd.s32 v26, v10  }
0x9a: {  	v63 =	vor.u32 v0, v16;
	v10 =	vnsel vm1, $0x17, v10;
	vm1 =	vlt.s32 v26, $0x17  }
0x9b: {  	v30 =	vnsel vm1, $0x17, v26;
	vm1 =	vlt.s32 v18, $0x17;
	v10 =	vshll.u32 v10, $0x4  }
0x9c: {  	v31 =	vnsel vm1, $0x17, v18;
	v18 =	vshll.u32 v27, $0x4;
	v32 =	vor.u32 v0, v10  }
0x9d: {  	v14 =	vshll.u32 v14, $0x4;
	v15 =	vshll.u32 v15, $0x4;
	v62 =	vor.u32 v0, v18  }
0x9e: {  	[tilespmem:v20+s12+$0x0] =	vst.idx.msk vm15, v22;
	v12 =	vshll.u32 v12, $0x4;
	v20 =	vor.u32 v0, v15;
	v16 =	vshll.u32 v19, $0x4  }
0x9f: {  	[tilespmem:v13+s12+$0x0] =	vst.idx.msk vm11, v29;
	v15 =	vor.u32 v0, v14;
	v19 =	vshll.u32 v24, $0x4;
	v13 =	vor.u32 v0, v16  }
0xa0: {  	v19 =	vor.u32 v0, v19;
	v16 =	vor.u32 v0, v12;
	v10 =	vshll.u32 v30, $0x4;
	[tilespmem:v63+s12+$0x0] =	vst.idx.msk vm14, v21  }
0xa1: {  	s30 =	simm.s32 $0xA0;
	v12 =	vshll.u32 v25, $0x4;
	v18 =	vor.u32 v0, v10;
	v10 =	vadd.s32 v61, v26;
	[tilespmem:v32+s12+$0x0] =	vst.idx.msk vm0, v23  }
0xa2: {  	s26 =	simm.s32 $0x0;
	s28 =	simm.s32 $0x1F0;
	s29 =	sadd.s32 $0x200, s29;
	v14 =	vshll.u32 v31, $0x4;
	vm0 =	vlt.s32 v8, $0x17;
	[tilespmem:v62+s12+$0x0] =	vst.idx.msk vm13, v17;
	v17 =	vor.u32 v0, v12  }
.LBB2_9:
0xa3: {  	v12 =	vld [tilespmem:s29+$0xFFFFFF00]  }
0xa4: {  	v24 =	vld [tilespmem:s29+$0x50]  }
0xa5: {  	v11 =	vshll.u32 v11, $0x4;
	v25 =	vld [tilespmem:s29+$0xFFFFFF10]  }
0xa6: {  	[tilespmem:v18+s12+$0x0] =	vst.idx.msk vm10, v7;
	v26 =	vld [tilespmem:s29+$0xFFFFFF40];
	v11 =	vor.u32 v0, v11  }
0xa7: {  	s31 =	sadd.s32 $0xFFFFFFA0, s28;
	v9 =	vnsel vm12, $0x17, v9;
	v21 =	vor.u32 s30, v0;
	s30 =	sadd.s32 $0xFFFFFF90, s25;
	[tilespmem:v19+s12+$0x0] =	vst.idx.msk vm8, v6;
	v8 =	vnsel vm0, $0x17, v8;
	v30 =	vld [tilespmem:$0x1FFF0]  }
0xa8: {  	v53 =	vld [tilespmem:s29+$0x60];
	v7 =	vshll.u32 v9, $0x4;
	v6 =	vor.u32 s31, v0;
	s31 =	sadd.s32 $0xFFFFFF80, s25;
	v22 =	vor.u32 s30, v0;
	[tilespmem:v20+s12+$0x0] =	vst.idx.msk vm7, v21  }
0xa9: {  	v18 =	vld [tilespmem:s29+$0x70];
	s30 =	sadd.s32 $0xFFFFFF30, s25;
	v19 =	vor.u32 v0, v7;
	v21 =	vor.u32 s31, v0;
	[tilespmem:v17+s12+$0x0] =	vst.idx.msk vm9, v22;
	vm14 =	vle.f32 v12, v5  }
0xaa: {  	s0 =	sadd.s32 $0xFFFFFF70, s25;
	v17 =	vld [tilespmem:s29+$0xFFFFFF70];
	v22 =	vor.u32 s30, v0;
	[tilespmem:v16+s12+$0x0] =	vst.idx.msk vm4, v21;
	v21 =	vor.u32 v0, v14;
	v14 =	vsel vm14, $0x1, v3  }
0xab: {  	v20 =	vld [tilespmem:s29+$0x10];
	v8 =	vshll.u32 v8, $0x4;
	v23 =	vor.u32 s0, v0;
	[tilespmem:v11+s12+$0x0] =	vst.idx.msk vm6, v22;
	v22 =	vadd.s32 v14, v10  }
0xac: {  	v9 =	vld [tilespmem:s29+$0x40];
	v7 =	vor.u32 s28, v0;
	s31 =	sadd.s32 $0xFFFFFFC0, s28;
	v8 =	vor.u32 v0, v8;
	vm0 =	vlt.s32 v22, $0x17  }
0xad: {  	s30 =	sadd.s32 $0xFFFFFF40, s25;
	v51 =	vld [tilespmem:s29+$0x20];
	v12 =	vor.u32 s31, v0;
	v27 =	vnsel vm0, $0x17, v22;
	vm0 =	vnez.u8 v30  }
0xae: {  	vm11 =	vle.f32 v24, v5;
	v11 =	vor.u32 s30, v0;
	s30 =	sadd.s32 $0xFFFFFF60, s25;
	vm10 =	vle.f32 v18, v5;
	v18 =	vld [tilespmem:$0x1FFE0]  }
0xaf: {  	s0 =	sadd.s32 $0xFFFFFF50, s25;
	v54 =	vld [tilespmem:s29+$0x0];
	s31 =	sadd.s32 $0xFFFFFFE0, s28;
	vm1 =	vle.f32 v25, v5;
	vm15 =	vle.f32 v53, v5;
	[tilespmem:v19+s12+$0x0] =	vst.idx.msk vm3, v11;
	v19 =	vor.u32 s30, v0  }
0xb0: {  	vm8 =	vle.f32 v20, v5;
	v11 =	vor.u32 s0, v0;
	v14 =	vor.u32 s31, v0;
	[tilespmem:v15+s12+$0x0] =	vst.idx.msk vm5, v19;
	v29 =	vld [tilespmem:s29+$0xFFFFFF30]  }
0xb1: {  	s0 =	sadd.s32 $0xFFFFFFD0, s25;
	vm4 =	vle.f32 v17, v5;
	v17 =	vsel vm11, $0x1, v3;
	v20 =	vsel vm8, $0x1, v3;
	[tilespmem:v8+s12+$0x0] =	vst.idx.msk vm2, v11;
	v8 =	vld [tilespmem:s29+$0xFFFFFF20]  }
0xb2: {  	s30 =	sadd.s32 $0xFFFFFF20, s28;
	s31 =	sadd.s32 $0xFFFFFFF0, s28;
	vm7 =	vle.f32 v51, v5;
	v19 =	vor.u32 s0, v0;
	vm5 =	vle.f32 v9, v5;
	v9 =	vld [tilespmem:s29+$0xFFFFFF50]  }
0xb3: {  	v28 =	vor.u32 s30, v0;
	v15 =	vor.u32 s31, v0;
	[tilespmem:v13+s12+$0x0] =	vst.idx.msk vm0, v19;
	vm0 =	vnez.u8 v18  }
0xb4: {  	v16 =	vld [tilespmem:s29+$0xFFFFFF60];
	v11 =	vimm.s32 $0x0;
	v52 =	vsel vm7, $0x1, v3;
	vm2 =	vle.f32 v26, v5  }
0xb5: {  	vm9 =	vle.f32 v54, v5;
	v26 =	vsel vm2, $0x1, v3;
	v55 =	vsel vm5, $0x1, v3  }
0xb6: {  	v58 =	vsel vm9, $0x1, v3;
	vm6 =	vle.f32 v8, v5;
	v8 =	vimm.s32 $0x0  }
0xb7: {  	s0 =	sadd.s32 $0xFFFFFF10, s28;
	vm3 =	vle.f32 v29, v5;
	v8 =	vsel vm5, $0xFFFFFFFF, v8;
	vm5 =	vle.f32 v9, v5  }
0xb8: {  	v9 =	vsel vm6, $0x1, v3;
	v13 =	vor.u32 s0, v0;
	v19 =	vshll.u32 v27, $0x4  }
0xb9: {  	v56 =	vsel vm5, $0x1, v3;
	v19 =	vor.u32 v0, v19;
	[tilespmem:v21+s12+$0x0] =	vst.idx.msk vm0, v23;
	vm0 =	vle.f32 v16, v5  }
0xba: {  	v16 =	vld [tilespmem:s29+$0x30];
	v11 =	vsel vm0, $0xFFFFFFFF, v11;
	v18 =	vsel vm0, $0x1, v3;
	vm0 =	vlt.s32 v10, $0x17  }
0xbb: {  	v21 =	vsel vm10, $0x1, v3;
	[tilespmem:$0x1FFE0] =	vst v11;
	v10 =	vnsel vm0, $0x17, v10;
	v11 =	vsel vm1, $0x1, v3  }
0xbc: {  	[tilespmem:$0x1FFF0] =	vst v8;
	v10 =	vshll.u32 v10, $0x4;
	v8 =	vadd.s32 v11, v22;
	v22 =	vsel vm3, $0x1, v3  }
0xbd: {  	vm0 =	vlt.s32 v8, $0x17;
	v10 =	vor.u32 v0, v10;
	v9 =	vadd.s32 v9, v8  }
0xbe: {  	v23 =	vsel vm4, $0x1, v3;
	v11 =	vnsel vm0, $0x17, v8;
	v8 =	vadd.s32 v22, v9  }
0xbf: {  	vm13 =	vle.f32 v16, v5;
	vm12 =	vlt.s32 v9, $0x17;
	v22 =	vadd.s32 v26, v8  }
0xc0: {  	v16 =	vsel vm13, $0x1, v3;
	vm0 =	vlt.s32 v22, $0x17;
	v57 =	vadd.s32 v56, v22  }
0xc1: {  	v22 =	vnsel vm0, $0x17, v22;
	vm0 =	vlt.s32 v57, $0x17;
	v18 =	vadd.s32 v18, v57  }
0xc2: {  	[tilespmem:v10+s12+$0x0] =	vst.idx.msk vm14, v13;
	vm14 =	vlt.s32 v18, $0x17;
	v10 =	vadd.s32 v23, v18;
	v13 =	vsel vm15, $0x1, v3  }
0xc3: {  	[tilespmem:v19+s12+$0x0] =	vst.idx.msk vm1, v28;
	v19 =	vnsel vm14, $0x17, v18;
	vm1 =	vlt.s32 v10, $0x17;
	v18 =	vadd.s32 v58, v10  }
0xc4: {  	v23 =	vnsel vm1, $0x17, v10;
	vm1 =	vlt.s32 v18, $0x17;
	v10 =	vadd.s32 v20, v18  }
0xc5: {  	v20 =	vnsel vm1, $0x17, v18;
	vm1 =	vlt.s32 v10, $0x17;
	v18 =	vadd.s32 v52, v10  }
0xc6: {  	v59 =	vnsel vm1, $0x17, v10;
	vm1 =	vlt.s32 v18, $0x17;
	v10 =	vadd.s32 v16, v18  }
0xc7: {  	v16 =	vnsel vm1, $0x17, v18;
	vm1 =	vlt.s32 v10, $0x17;
	v18 =	vadd.s32 v55, v10  }
0xc8: {  	v10 =	vnsel vm1, $0x17, v10;
	vm1 =	vlt.s32 v18, $0x17;
	v17 =	vadd.s32 v17, v18  }
0xc9: {  	v16 =	vshll.u32 v16, $0x4;
	v18 =	vnsel vm1, $0x17, v18;
	vm1 =	vlt.s32 v17, $0x17  }
0xca: {  	v60 =	vadd.s32 v13, v17;
	v63 =	vor.u32 v0, v16;
	v10 =	vshll.u32 v10, $0x4  }
0xcb: {  	v16 =	vshll.u32 v20, $0x4;
	v13 =	vshll.u32 v18, $0x4;
	v17 =	vnsel vm1, $0x17, v17  }
0xcc: {  	s26 =	sadd.s32 $0x10, s26;
	vm1 =	vlt.s32 v60, $0x17;
	v61 =	vor.u32 v0, v13;
	v13 =	vshll.u32 v17, $0x4  }
0xcd: {  	p2 =	slt.u32 s26, $0x1F0;
	v20 =	vshll.u32 v59, $0x4;
	v17 =	vnsel vm1, $0x17, v60;
	v62 =	vor.u32 v0, v13  }
.Ltmp7:
0xce: {  	v20 =	vor.u32 v0, v20;
	v13 =	vshll.u32 v17, $0x4;
	v17 =	vshll.u32 v19, $0x4;
	(pc) =	sbr.rel @p2 .LBB2_9-.Ltmp7, $4  }
0xcf: {  	v19 =	vor.u32 v0, v16;
	v18 =	vor.u32 v0, v13;
	v13 =	vor.u32 v0, v10  }
0xd0: {  	v10 =	vadd.s32 v21, v60;
	v16 =	vor.u32 v0, v17;
	v17 =	vshll.u32 v23, $0x4;
	[tilespmem:v63+s12+$0x0] =	vst.idx.msk vm13, v12  }
0xd1: {  	s25 =	smov.u32 s28;
	v21 =	vnsel vm0, $0x17, v57;
	vm0 =	vlt.s32 v8, $0x17;
	[tilespmem:v61+s12+$0x0] =	vst.idx.msk vm11, v14;
	v14 =	vshll.u32 v22, $0x4  }
0xd2: {  	s30 =	sadd.s32 $0xFFFFFFB0, s25;
	s28 =	sadd.s32 $0x100, s28;
	s29 =	sadd.s32 $0x200, s29;
	v17 =	vor.u32 v0, v17;
	[tilespmem:v62+s12+$0x0] =	vst.idx.msk vm15, v15;
	v15 =	vor.u32 v0, v14;
	v14 =	vshll.u32 v21, $0x4  }
0xd3: {  	_ =	sdelay $0x3  }
0xd4: {  	v5 =	vshll.u32 v11, $0x4;
	v9 =	vnsel vm12, $0x17, v9  }
0xd5: {  	[tilespmem:v18+s12+$0x0] =	vst.idx.msk vm10, v7;
	v5 =	vor.u32 v0, v5;
	v7 =	vshll.u32 v9, $0x4  }
0xd6: {  	s0 =	sadd.s32 $0xFFFFFF90, s25;
	[tilespmem:v19+s12+$0x0] =	vst.idx.msk vm8, v6;
	v9 =	vor.u32 s30, v0;
	v6 =	vor.u32 v0, v7  }
0xd7: {  	s26 =	sadd.s32 $0xFFFFFF80, s25;
	v7 =	vor.u32 s0, v0;
	[tilespmem:v20+s12+$0x0] =	vst.idx.msk vm7, v9  }
0xd8: {  	s30 =	sadd.s32 $0xFFFFFF30, s25;
	v9 =	vor.u32 s26, v0;
	[tilespmem:v17+s12+$0x0] =	vst.idx.msk vm9, v7  }
0xd9: {  	s31 =	sadd.s32 $0xFFFFFF40, s25;
	v7 =	vor.u32 s30, v0;
	[tilespmem:v16+s12+$0x0] =	vst.idx.msk vm4, v9  }
0xda: {  	s26 =	sadd.s32 $0xFFFFFF60, s25;
	[tilespmem:v5+s12+$0x0] =	vst.idx.msk vm6, v7;
	v5 =	vor.u32 s31, v0  }
0xdb: {  	[tilespmem:v6+s12+$0x0] =	vst.idx.msk vm3, v5;
	v5 =	vor.u32 s26, v0  }
0xdc: {  	[tilespmem:v15+s12+$0x0] =	vst.idx.msk vm5, v5  }
0xdd: {  	v7 =	vld [tilespmem:$0x1FFF0];
	_ =	sdelay $0x4  }
0xde: {  	vm14 =	vnez.u8 v7;
	_ =	sdelay $0x3  }
0xdf: {  	s28 =	sadd.s32 $0xFFFFFFD0, s25  }
0xe0: {  	v5 =	vor.u32 s28, v0  }
0xe1: {  	[tilespmem:v13+s12+$0x0] =	vst.idx.msk vm14, v5  }
0xe2: {  	v7 =	vld [tilespmem:$0x1FFE0];
	_ =	sdelay $0x2  }
0xe3: {  	v8 =	vnsel vm0, $0x17, v8  }
0xe4: {  	v8 =	vshll.u32 v8, $0x4  }
0xe5: {  	v8 =	vor.u32 v0, v8;
	vm15 =	vnez.u8 v7  }
0xe6: {  	v9 =	vor.u32 v0, v14;
	_ =	sdelay $0x1  }
0xe7: {  	s30 =	sadd.s32 $0xFFFFFF50, s25  }
0xe8: {  	s29 =	sadd.s32 $0xFFFFFF70, s25;
	v5 =	vor.u32 s30, v0  }
0xe9: {  	v6 =	vor.u32 s29, v0;
	[tilespmem:v8+s12+$0x0] =	vst.idx.msk vm2, v5  }
0xea: {  	[tilespmem:v9+s12+$0x0] =	vst.idx.msk vm15, v6  }
0xeb: {  	v5 =	vld [tilespmem:$0xC100];
	_ =	sdelay $0x1  }
0xec: {  	v7 =	vxor.u32 $0x80000000, v10  }
0xed: {  	(xrf0) =	vmax.scan.msk.u32 $0xffff, v7  }
0xee: {  	v6 =	vmov s24  }
0xef: {  	v6 =	vshll.u32 v6, $0x7;
	v8 =	vshll.u32 v5, $0x1  }
0xf0: {  	v9 =	vbroadcast v6, $0x0;
	v10 =	vand.u32 $0x7F, v5;
	v8 =	vand.u32 $0xFFFFFF00, v8  }
0xf1: {  	v6 =	vor.u32 v8, v10  }
0xf2: {  	v6 =	vor.u32 v9, v6  }
0xf3: {  	v7, _, _ =	vpop (xrf0)  }
0xf4: {  	(v2sf) =	vpush v7, $0xF;
	_ =	sdelay $0x2  }
0xf5: {  	v6 =	vld.idx.msk [tilespmem:v6+s1+$0x0], $0xffff;
	_ =	sdelay $0x4  }
0xf6: {  	(xrf1) =	vsort.ascd.msk.f32 $0xffff, v6, v5;
	_ =	sdelay $0x6  }
0xf7: {  	s31 =	spop (v2sf)  }
0xf8: {  	s24 =	sxor.u32 $0x80000000, s31  }
0xf9: {  	p2 =	slt.s32 s24, $0x2  }
.Ltmp8:
0xfa: {  	_ = 	snop;
	(pc) =	sbr.rel @p2 .LBB2_11-.Ltmp8, $2  }
0xfb: {  	_ =	sdelay $0x2  }
0xfc: {  	v6, v5, _ =	vpop (xrf1)  }
0xfd: {  	p2 =	slt.s32 s24, $0x18  }
0xfe: {  	s24 =	simm.s32 @!p2 $0x18  }
0xff: {  	s0 =	sadd.s32 $0xFFFFFFFF, s24  }
0x100: {  	p4 =	sne.s32 s0, $0x1  }
.Ltmp9:
0x101: {  	_ = 	snop;
	(pc) =	sbr.rel @!p4 .LBB2_13-.Ltmp9, $3  }
0x102: {  	_ =	sdelay $0x1  }
0x103: {  	s25 =	simm.s32 $0xC110  }
0x104: {  	v8 =	vimm.f32 $3.000000010e+38;
	v7 =	vimm.s32 $0x0;
	p3 =	por $0x0, $0x0;
	v10 =	vld [tilespmem:s25+$0x0];
	p2 =	por $0x0, $0x0;
	s24 =	sadd.s32 $0xFFFFFFFF, s0  }
0x105: {  	_ =	sdelay $0x3  }
0x106: {  	v11 =	vshll.u32 v10, $0x1  }
0x107: {  	v12 =	vand.u32 $0x7F, v10;
	v11 =	vand.u32 $0xFFFFFF00, v11  }
0x108: {  	v11 =	vor.u32 v11, v12  }
0x109: {  	v11 =	vor.u32 v9, v11;
	_ =	sdelay $0x4  }
0x10a: {  	v11 =	vld.idx.msk [tilespmem:v11+s1+$0x0], $0xffff;
	_ =	sdelay $0x4  }
0x10b: {  	(xrf1) =	vsort.ascd.msk.f32 $0xffff, v11, v10;
	_ =	sdelay $0xd  }
0x10c: {  	p4 =	sne.s32 s24, $0x1;
	v10, v11, _ =	vpop (xrf1)  }
.Ltmp10:
0x10d: {  	v10 =	vperm.xlane v10, v4;
	(pc) =	sbr.rel @!p4 .LBB2_15-.Ltmp10, $4  }
0x10e: {  	v11 =	vperm.xlane v11, v4  }
0x10f: {  	vm0 =	vle.f32 v8, v10  }
0x110: {  	s0 =	simm.s32 $0xC120;
	v63 =	vsel vm0, v8, v10;
	v11 =	vsel vm0, v7, v11  }
0x111: {  	s25 =	sadd.s32 $0xFFFFFFFF, s24;
	p2 =	por $0x1, $0x1;
	v10 =	vld [tilespmem:s0+$0x0];
	(xrf1) =	vsort.ascd.msk.f32 $0xffff, v63, v11  }
0x112: {  	_ =	sdelay $0x3  }
0x113: {  	v11 =	vshll.u32 v10, $0x1  }
0x114: {  	v12 =	vand.u32 $0x7F, v10;
	v11 =	vand.u32 $0xFFFFFF00, v11  }
0x115: {  	v11 =	vor.u32 v11, v12  }
0x116: {  	v11 =	vor.u32 v9, v11;
	_ =	sdelay $0x4  }
0x117: {  	v11 =	vld.idx.msk [tilespmem:v11+s1+$0x0], $0xffff  }
0x118: {  	v12, v13, _ =	vpop (xrf1)  }
0x119: {  	v12 =	vperm.xlane v12, v4  }
0x11a: {  	v13 =	vperm.xlane v13, v4  }
0x11b: {  	vm0 =	vle.f32 v8, v12  }
0x11c: {  	(xrf1) =	vsort.ascd.msk.f32 $0xffff, v11, v10;
	v10 =	vsel vm0, v8, v12;
	v11 =	vsel vm0, v7, v13  }
0x11d: {  	v12 =	vsel vm0, v12, v8;
	v13 =	vsel vm0, v13, v7;
	(xrf1) =	vsort.ascd.msk.f32 $0xffff, v10, v11  }
0x11e: {  	(xrf1) =	vsort.ascd.msk.f32 $0xffff, v12, v13;
	_ =	sdelay $0xb  }
0x11f: {  	v10, v11, _ =	vpop (xrf1)  }
0x120: {  	v10 =	vperm.xlane v10, v4;
	v12, v13, _ =	vpop (xrf1)  }
0x121: {  	p4 =	sne.s32 s25, $0x1;
	v11 =	vperm.xlane v11, v4;
	v14 =	vperm.xlane v12, v4;
	v12, v15, _ =	vpop (xrf1)  }
.Ltmp11:
0x122: {  	vm0 =	vle.f32 v12, v10;
	(pc) =	sbr.rel @!p4 .LBB2_17-.Ltmp11, $4  }
0x123: {  	v12 =	vsel vm0, v12, v10;
	v11 =	vsel vm0, v15, v11  }
0x124: {  	s24 =	simm.s32 $0xC130;
	v13 =	vperm.xlane v13, v4  }
0x125: {  	vm0 =	vle.f32 v6, v14;
	v10 =	vld [tilespmem:s24+$0x0];
	(xrf1) =	vsort.ascd.msk.f32 $0xffff, v12, v11  }
0x126: {  	s25 =	sadd.s32 $0xFFFFFFFF, s25;
	p3 =	por $0x1, $0x1;
	v15 =	vsel vm0, v6, v14;
	v16 =	vsel vm0, v13, v5;
	v11 =	vmovc v5;
	v12 =	vmov v6  }
.LBB2_18:
0x127: {  	p4 =	sne.s32 s25, $0x1;
	s25 =	sadd.s32 $0xFFFFFFFF, s25;
	v11 =	vsel vm0, v11, v13;
	v12 =	vsel vm0, v14, v12  }
0x128: {  	(xrf1) =	vsort.ascd.msk.f32 $0xffff, v12, v16  }
0x129: {  	(xrf1) =	vsort.ascd.msk.f32 $0xffff, v15, v11  }
0x12a: {  	v11 =	vshll.u32 v10, $0x1  }
0x12b: {  	v12 =	vand.u32 $0x7F, v10;
	v11 =	vand.u32 $0xFFFFFF00, v11  }
0x12c: {  	v11 =	vor.u32 v11, v12  }
0x12d: {  	v11 =	vor.u32 v9, v11;
	_ =	sdelay $0x4  }
0x12e: {  	v13 =	vld.idx.msk [tilespmem:v11+s1+$0x0], $0xffff;
	_ =	sdelay $0x1  }
0x12f: {  	v11, v12, _ =	vpop (xrf1)  }
0x130: {  	v14 =	vperm.xlane v11, v4  }
0x131: {  	v15 =	vperm.xlane v12, v4;
	v16, v17, _ =	vpop (xrf1)  }
0x132: {  	vm0 =	vle.f32 v16, v14;
	v12, v11, _ =	vpop (xrf1)  }
0x133: {  	(xrf1) =	vsort.ascd.msk.f32 $0xffff, v13, v10;
	v10 =	vsel vm0, v16, v14;
	v13 =	vsel vm0, v17, v15  }
0x134: {  	v14 =	vsel vm0, v14, v16;
	v15 =	vsel vm0, v15, v17;
	(xrf1) =	vsort.ascd.msk.f32 $0xffff, v10, v13  }
0x135: {  	(xrf1) =	vsort.ascd.msk.f32 $0xffff, v14, v15;
	_ =	sdelay $0xb  }
0x136: {  	v10, v13, _ =	vpop (xrf1)  }
.Ltmp12:
0x137: {  	v15 =	vperm.xlane v10, v4;
	v10, v16, _ =	vpop (xrf1);
	(pc) =	sbr.rel @p4 .LBB2_18-.Ltmp12, $4  }
0x138: {  	v17 =	vperm.xlane v13, v4;
	v14 =	vperm.xlane v10, v4;
	v18, v19, _ =	vpop (xrf1)  }
0x139: {  	s24 =	sadd.s32 $0x10, s24;
	v13 =	vperm.xlane v16, v4;
	vm0 =	vle.f32 v18, v15  }
0x13a: {  	v10 =	vld [tilespmem:s24+$0x0];
	v15 =	vsel vm0, v18, v15;
	v16 =	vsel vm0, v19, v17;
	vm0 =	vle.f32 v12, v14  }
0x13b: {  	(xrf1) =	vsort.ascd.msk.f32 $0xffff, v15, v16;
	v15 =	vsel vm0, v12, v14;
	v16 =	vsel vm0, v13, v11  }
.LBB2_19:
0x13c: {  	v12 =	vsel @p3 vm0, v14, v12  }
0x13d: {  	(xrf1) =	vsort.ascd.msk.f32 @p3 $0xffff, v12, v16;
	_ =	sdelay $0x3  }
0x13e: {  	v59 =	vshll.u32 v10, $0x1  }
0x13f: {  	v60 =	vand.u32 $0x7F, v10;
	v12 =	vand.u32 $0xFFFFFF00, v59  }
0x140: {  	v12 =	vor.u32 v12, v60  }
0x141: {  	v9 =	vor.u32 v9, v12;
	_ =	sdelay $0x4  }
0x142: {  	v9 =	vld.idx.msk [tilespmem:v9+s1+$0x0], $0xffff  }
0x143: {  	v12, v14, _ =	vpop @p2 (xrf1)  }
0x144: {  	v12 =	vperm.xlane @p2 v12, v4;
	v16, v17, _ =	vpop @p3 (xrf1)  }
0x145: {  	v11 =	vsel @p3 vm0, v11, v13;
	v13 =	vperm.xlane @p2 v14, v4;
	v14 =	vpsel p3, v16, v8  }
0x146: {  	(xrf1) =	vsort.ascd.msk.f32 @p3 $0xffff, v15, v11;
	v11 =	vpsel p3, v17, v7;
	vm0 =	vle.f32 @p2 v14, v12  }
0x147: {  	(xrf1) =	vsort.ascd.msk.f32 $0xffff, v9, v10;
	v9 =	vsel @p2 vm0, v14, v12;
	v10 =	vsel @p2 vm0, v11, v13  }
0x148: {  	v12 =	vsel @p2 vm0, v12, v14;
	v11 =	vsel @p2 vm0, v13, v11;
	(xrf1) =	vsort.ascd.msk.f32 @p2 $0xffff, v9, v10  }
0x149: {  	(xrf1) =	vsort.ascd.msk.f32 @p2 $0xffff, v12, v11;
	_ =	sdelay $0xa  }
0x14a: {  	v9, v10, _ =	vpop @p3 (xrf1)  }
0x14b: {  	v11, v12, _ =	vpop (xrf1)  }
0x14c: {  	v13, v14, _ =	vpop @p2 (xrf1)  }
0x14d: {  	v9 =	vpsel p3, v9, v6;
	v10 =	vpsel p3, v10, v5;
	v11 =	vperm.xlane v11, v4;
	v15, v16, _ =	vpop @p2 (xrf1)  }
0x14e: {  	v12 =	vperm.xlane v12, v4;
	v13 =	vperm.xlane @p2 v13, v4;
	v15 =	vpsel p2, v15, v8  }
0x14f: {  	v14 =	vperm.xlane @p2 v14, v4;
	v61 =	vpsel p2, v16, v7;
	vm13 =	vle.f32 v15, v11  }
0x150: {  	vm0 =	vle.f32 @p2 v9, v13;
	v16 =	vpsel p2, v13, v0;
	v11 =	vsel vm13, v15, v11  }
0x151: {  	v12 =	vsel vm13, v61, v12;
	v15 =	vsel @p2 vm0, v14, v10;
	vm1 =	vmmov @p2 vm0  }
0x152: {  	(xrf1) =	vsort.ascd.msk.f32 $0xffff, v11, v12;
	v11 =	vpsel p2, v15, v0;
	v12 =	vsel @p2 vm1, v16, v9  }
0x153: {  	(xrf1) =	vsort.ascd.msk.f32 @p2 $0xffff, v12, v11;
	_ =	sdelay $0xc  }
0x154: {  	v11, v12, _ =	vpop (xrf1)  }
0x155: {  	v9 =	vsel @p2 vm0, v9, v13;
	v13 =	vpsel p2, v14, v0;
	v11 =	vperm.xlane v11, v4;
	v14, v15, _ =	vpop @p2 (xrf1)  }
0x156: {  	v9 =	vpsel p2, v9, v0;
	v12 =	vperm.xlane v12, v4;
	v8 =	vpsel p2, v14, v8  }
0x157: {  	v10 =	vsel @p2 vm1, v10, v13;
	v7 =	vpsel p2, v15, v7;
	vm14 =	vle.f32 v8, v11  }
0x158: {  	(xrf1) =	vsort.ascd.msk.f32 @p2 $0xffff, v9, v10;
	v9 =	vsel vm14, v8, v11;
	v10 =	vsel vm14, v7, v12  }
0x159: {  	(xrf1) =	vsort.ascd.msk.f32 $0xffff, v9, v10;
	_ =	sdelay $0xc  }
0x15a: {  	v9, v10, _ =	vpop @p2 (xrf1)  }
0x15b: {  	v63, v62, _ =	vpop (xrf1)  }
0x15c: {  	v13 =	vperm.xlane v63, v4  }
0x15d: {  	v8 =	vsel vm14, v11, v8;
	v6 =	vpsel p2, v9, v6;
	v11 =	vperm.xlane v62, v4  }
0x15e: {  	v7 =	vsel vm14, v12, v7;
	v5 =	vpsel p2, v10, v5;
	vm15 =	vle.f32 v6, v13  }
0x15f: {  	(xrf1) =	vsort.ascd.msk.f32 $0xffff, v8, v7;
	v7 =	vsel vm15, v11, v5;
	v8 =	vsel vm15, v13, v6  }
0x160: {  	v6 =	vsel vm15, v6, v13;
	v5 =	vsel vm15, v5, v11;
	(xrf1) =	vsort.ascd.msk.f32 $0xffff, v8, v7  }
0x161: {  	(xrf1) =	vsort.ascd.msk.f32 $0xffff, v6, v5;
	_ =	sdelay $0x9  }
.Ltmp13:
0x162: {  	_ = 	snop;
	(pc) =	sbr.rel .LBB2_20-.Ltmp13, $4  }
0x163: {  	_ = 	snop  }
0x164: {  	v9, v7, _ =	vpop (xrf1)  }
0x165: {  	v10, v8, _ =	vpop (xrf1)  }
0x166: {  	v6, v5, _ =	vpop (xrf1)  }
.LBB2_13:
.Ltmp14:
0x167: {  	(pc) =	sbr.rel .LBB2_19-.Ltmp14, $2  }
0x168: {  	_ =	sdelay $0x2  }
0x169: {  	v11 =	vmov v5;
	v12 =	vmov v6  }
.LBB2_15:
.Ltmp15:
0x16a: {  	(pc) =	sbr.rel .LBB2_19-.Ltmp15, $2  }
0x16b: {  	_ =	sdelay $0x2  }
0x16c: {  	v11 =	vmov v5;
	v12 =	vmov v6  }
.LBB2_17:
.Ltmp16:
0x16d: {  	(pc) =	sbr.rel .LBB2_19-.Ltmp16, $2  }
0x16e: {  	_ =	sdelay $0x2  }
0x16f: {  	v11 =	vmov v5;
	v12 =	vmov v6  }
.LBB2_22:
0x170: {  	_ =	sfence.sel $0x180000  }
0x171: {  	[bflag:$0x0] =	sbarrier.arrive $0xFFFF  }
0x172: {  	_ =	strace $0x90000047  }
0x173: {  	[bflag:$0x2] =	sbarrier.arrive $0xFFFF  }
0x174: {  	p0 =	sne.s32 s2, $0x0;
	s0 =	rddreg [dreg:$0x2]  }
0x175: {  	s0 =	sadd.s32 @!p0 $0x100000, s0  }
0x176: {  	[sflag:s0] =	ssyncadd.tile.s32 @!p0 $0x1;
	_ =	shalt  }
.Lfunc_end2:
_tile_overlayer_lowered:
.L_overlay_start_2:
0x177: {  	(tag) =	ssettag $0x2  }
0x178: {  	s0 =	rddreg [dreg:$0x0];
	s2 =	stileid.u32  }
0x179: {  	s1 =	rddreg [dreg:$0x1];
	p0 =	sne.s32 s2, $0x0  }
0x17a: {  	s3 =	rddreg [dreg:$0x2];
	[bflag:$0x3] =	sbarrier.arrive $0xFFFF;
	s2 =	simm.s32 @!p0 $0x1C0B  }
0x17b: {  	[timem:s3], [sflag:s2] =	dma.local @!p0 [hbm:s0], s1  }
0x17c: {  	s0 =	simm.s32 @!p0 $0xB  }
0x17d: {  	_ =	swait.ge @!p0 [sflag:s0], s1  }
0x17e: {  	s1 =	ssub.s32 @!p0 $0x0, s1;
	[sflag:s0] =	ssyncset.done @!p0 $0x0  }
0x17f: {  	[sflag:s0] =	ssyncadd.s32 @!p0 s1  }
0x180: {  	[bflag:$0x3] =	sbarrier.arrive $0xFFFF  }
0x181: {  	_ =	shalt  }

// kernel: sparse-core-data-format-call.cloned.1.call-start
scs
called_computation_lowered:
.L_overlay_start_0:
0x0: {  	s2 =	sld [smem:$0x3FD9]  }
0x1: {  	s3 =	sld [smem:$0x3FFE];
	_ =	sdelay $0x1  }
0x2: {  	s1 =	srdreg.scid  }
0x3: {  	s0 =	sand.u32 $0x1, s1  }
0x4: {  	s15 =	sshll.u32 s0, $0xA;
	s2 =	sadd.s32 s3, s2  }
0x5: {  	s2 =	sadd.s32 s2, s15  }
0x6: {  	[smem:$0x3FC7] =	sst s2  }
0x7: {  	_ = 	snop  }
0x8: {  	s2 =	sld [smem:$0x3FD0];
	_ =	sdelay $0x2  }
0x9: {  	s16 =	simm.s32 $0xA;
	s4 =	simm.s32 $0x10  }
0xa: {  	[smem:s4], [sflag:s16] =	dma.local [hbm:s2], $0x1  }
0xb: {  	_ =	swait.eq [sflag:s16], $0x1  }
0xc: {  	[sflag:s16] =	ssyncset.done $0x0  }
0xd: {  	[sflag:s16] =	ssyncadd.s32 $0xFFFFFFFF  }
0xe: {  	s17 =	sld [smem:$0x10];
	(tm) =	ssettm $0x1  }
0xf: {  	s18 =	sld [smem:$0x3FFB];
	_ =	sdelay $0x3  }
0x10: {  	_ =	strace s18  }
0x11: {  	s3 =	sld [smem:$0x3FFC];
	_ =	sdelay $0x3  }
0x12: {  	_ =	strace s3  }
0x13: {  	s3 =	sld [smem:$0x3FFD];
	_ =	sdelay $0x3  }
0x14: {  	_ =	strace s3  }
0x15: {  	_ =	strace $0x8FFFFFFF  }
0x16: {  	s19 =	sld [smem:$0x3FDB];
	_ =	sdelay $0x1  }
0x17: {  	s20 =	simm.s32 $_scs_section_size  }
0x18: {  	s5 =	simm.s32 $_size__tile_overlayer_lowered;
	s6 =	simm.s32 $_tile_overlayer_lowered  }
0x19: {  	s23 =	simm.s32 $0x1BFF;
	s22 =	sshll.u32 s6, $0x1;
	s3 =	sadd.s32 s20, s19  }
0x1a: {  	s7 =	simm.s32 $0x0;
	s21 =	sshll.u32 s5, $0x1;
	s5 =	sadd.s32 s22, s3  }
0x1b: {  	[timem:s7], [sflag:s23] =	dma.local [hbm:s5], s21  }
0x1c: {  	_ =	swait.ge [sflag:s23], s21  }
0x1d: {  	s4 =	ssub.s32 $0x0, s21;
	[sflag:s23] =	ssyncset.done $0x0  }
0x1e: {  	[sflag:s23] =	ssyncadd.s32 s4;
	_ =	sdelay $0x1  }
0x1f: {  	s24 =	simm.s32 $0x1B8B  }
0x20: {  	_ =	swait.ge [sflag:s24], $0x1  }
0x21: {  	[sflag:s24] =	ssyncset.done $0x0  }
0x22: {  	s26 =	simm.s32 $0x1B8E;
	s25 =	sld [smem:$0x3FFE];
	[sflag:s24] =	ssyncadd.s32 $0xFFFFFFFF  }
0x23: {  	s27 =	simm.s32 $execute0_lowered;
	[smem:$0x3FD2] =	sst s26  }
0x24: {  	s5 =	sshll.u32 s27, $0x1;
	_ =	strace $0x80000049;
	[dreg:$0x1] =	wrdreg $0xFFFFFFFF  }
0x25: {  	s28 =	simm.s32 $_size_execute0_lowered;
	s3 =	sadd.s32 s3, s5;
	[dreg:$0x0] =	wrdreg $0x0  }
0x26: {  	s5 =	sshll.u32 s28, $0x1;
	[dreg:$0x2] =	wrdreg s3  }
0x27: {  	[dreg:$0x3] =	wrdreg s5  }
0x28: {  	[dreg:$0x4] =	wrdreg $0xC0  }
0x29: {  	_ =	task [dreg:s7], $0x5FFFF  }
0x2a: {  	[dreg:$0x1] =	wrdreg $0xFFFFFFFF  }
0x2b: {  	[dreg:$0x0] =	wrdreg $0x60  }
0x2c: {  	[dreg:$0x2] =	wrdreg s25  }
0x2d: {  	[dreg:$0x3] =	wrdreg s17  }
0x2e: {  	[dreg:$0x4] =	wrdreg $0x9  }
0x2f: {  	_ =	task.clear_ibuf [dreg:s7], $0x5FFFF;
	_ =	strace $0x90000049  }
0x30: {  	s29 =	simm.s32 $0x9;
	_ =	strace $0x8000004B  }
0x31: {  	_ =	swait.ge [sflag:s29], $0x1  }
0x32: {  	[sflag:s29] =	ssyncadd.s32 $0xFFFFFFFF  }
0x33: {  	_ =	strace $0x9000004B  }
0x34: {  	_ =	sfence  }
0x35: {  	s30 =	sld [smem:$0x0];
	_ =	sdelay $0x2  }
0x36: {  	s31 =	sshll.u32 s1, $0xD;
	s1 =	sshrl.u32 s1, $0x2  }
0x37: {  	s3 =	sand.u32 $0x4000, s31;
	s1 =	sadd.s32 s1, s30  }
0x38: {  	s0 =	sor.u32 s3, s0;
	s1 =	sshll.u32 s1, $0x11  }
0x39: {  	s0 =	sor.u32 s1, s0  }
0x3a: {  	s0 =	sadd.s32 $0x8F2B, s0  }
0x3b: {  	[sflag:s0] =	ssyncadd.remote.s32 $0x1  }
0x3c: {  	_ =	sfence.sel $0xFFFF  }
0x3d: {  	[dreg:$0x0] =	wrdreg $0xFFFFFFFF;
	(pc) =	sbr.abs _section_cstart, $3  }
0x3e: {  	[dreg:$0x1] =	wrdreg $0xFFFFFFFF  }
0x3f: {  	_ =	task.clear_ibuf [dreg:s7], $0x2FFFF;
	_ =	strace $0x9FFFFFFF  }
0x40: {  	(tm) =	ssettm $0x7FFFFFFF  }
0x41: {  	_ =	shalt  }
tec
execute0_lowered:
.L_overlay_start_1:
0x0: {  	(tag) =	ssettag $0x1  }
0x1: {  	s0 =	srdreg.scid  }
0x2: {  	s1 =	sshll.u32 s0, $0x4  }
0x3: {  	s4 =	rddreg [dreg:$0x0];
	s0 =	stileid.u32;
	s1 =	sand.u32 $0x10, s1  }
0x4: {  	s2 =	rddreg [dreg:$0x1];
	s7 =	simm.s32 $0x1;
	s1 =	sor.u32 s0, s1  }
0x5: {  	s8 =	simm.s32 $0x2;
	s11 =	simm.s32 $0x0;
	s3 =	sshll.u32 s1, $0x7  }
0x6: {  	s10 =	simm.s32 $0x0;
	s4 =	sadd.s32 $0x1800, s4;
	s6 =	ssub.s32 $0x40000, s3  }
.Ltmp0:
0x7: {  	s1 =	rddreg [dreg:$0x2];
	s5 =	sand.u32 $0xF80, s6;
	(pc) =	sbr.rel .LBB1_1-.Ltmp0, $4  }
0x8: {  	_ =	strace $0x8000004A;
	s9 =	smov.u32 s3;
	p0 =	sne.s32 s5, $0x0  }
0x9: {  	s6 =	sshrl.u32 s6, $0xC;
	s5 =	simm.s32 $0x1;
	s7 =	simm.s32 @!p0 $0x0  }
0xa: {  	[sflag:s5] =	ssyncpa.u1 $0x0;
	p0 =	por $0x0, $0x0;
	s6 =	sadd.s32 s7, s6  }
0xb: {  	[sflag:s8] =	ssyncpa.u1 $0x0;
	s8 =	simm.s32 $0x200000;
	s7 =	sadd.s32 $0x1, s6  }
.LBB1_4:
0xc: {  	s14 =	sshll.u32 s11, $0x3  }
0xd: {  	s15 =	sand.u32 $0x78, s11;
	s14 =	sand.u32 $0x3FC00, s14  }
0xe: {  	[tilespmem:s13+$0x810 ss:$0x81] =	vst.msk $0xffff, v2;
	s29 =	sand.u32 $0x1F8000, s11;
	s30 =	sand.u32 $0x7, s11;
	s14 =	sor.u32 s15, s14  }
0xf: {  	[tilespmem:s13+$0x1020 ss:$0x81] =	vst.msk $0xffff, v0;
	s11 =	sshll.u32 s30, $0x12;
	s15 =	sadd.s32 s2, s29;
	s14 =	sshrl.u32 s14, $0x3  }
0x10: {  	[tilespmem:s13+$0x0 ss:$0x81] =	vst.msk $0xffff, v1;
	s11 =	sor.u32 $0x400, s11;
	s31 =	sadd.s32 s14, s15  }
0x11: {  	[hbm4b:s31+s11] =	stream.strided.scatter [tilespmem:s12], [sflag:$0x2], $0x2000, s8, s11, $0x20;
	[tilespmem:$0x8080] =	vst v63  }
.LBB1_5:
0x12: {  	s13 =	sadd.s32 $0x1000, s9  }
0x13: {  	p2 =	sgt.s32 s13, $0x3FFFF  }
0x14: {  	s13 =	smov.u32 @p2 s3;
	p2 =	sne.s32 s10, s7  }
.Ltmp1:
0x15: {  	p1 =	slt.u32 s10, $0x2;
	(pc) =	sbr.rel @!p2 .LBB1_6-.Ltmp1, $4  }
0x16: {  	s12 =	simm.s32 @!p1 $0x2  }
0x17: {  	s14 =	sadd.s32 $0x1, s10;
	_ =	swait.ge @!p1 [sflag:s12], $0x2000  }
0x18: {  	s11 =	smov.u32 s9;
	p0 =	por !p0, !p0;
	[sflag:s12] =	ssyncset.done @!p1 $0x0  }
0x19: {  	s10 =	smov.u32 s14;
	s9 =	smov.u32 s13;
	[sflag:s12] =	ssyncadd.s32 @!p1 $0xFFFFE000  }
.LBB1_1:
0x1a: {  	p1 =	sge.u32 s10, s6  }
0x1b: {  	s31 =	sadd.s32 $0xFFFFFFFF, s10;
	s12 =	sxor.u32 @!p1 $0xFFFFFFFF, s10;
	s13 =	sshll.u32 @!p1 s9, $0x4  }
0x1c: {  	s14 =	simm.s32 @!p1 $0x40;
	s12 =	sshll.u32 @!p1 s12, $0xD;
	s13 =	sand.u32 @!p1 $0x3FFFF0, s13  }
0x1d: {  	s15 =	simm.s32 @!p1 $0x80;
	s12 =	sand.u32 @!p1 $0x2000, s12;
	s13 =	sadd.s32 @!p1 s4, s13  }
0x1e: {  	[tilespmem:s12], [sflag:$0x1] =	stream.strided.gather @!p1 [hbm4b:s13+s14], $0x2000, s15, s14, $0x38;
	[tilespmem:$0x8080] =	vst v63  }
0x1f: {  	p1 =	sge.u32 s31, s6  }
.Ltmp2:
0x20: {  	_ = 	snop;
	(pc) =	sbr.rel @p1 .LBB1_5-.Ltmp2, $1  }
0x21: {  	_ =	sdelay $0x3  }
0x22: {  	s12 =	simm.s32 $0x1  }
0x23: {  	_ =	swait.ge [sflag:s5], $0x2000;
	s12 =	simm.s32 @!p0 $0x0  }
0x24: {  	[sflag:s5] =	ssyncset.done $0x0;
	s13 =	sshll.u32 s12, $0xD  }
0x25: {  	[sflag:s5] =	ssyncadd.s32 $0xFFFFE000;
	s16 =	sor.u32 $0x20, s13  }
0x26: {  	s12 =	smul.u32 $0x8100, s12;
	v3 =	vld [tilespmem:s16+$0x10]  }
0x27: {  	s30 =	sand.u32 $0x1, s10;
	v2 =	vld [tilespmem:s16+$0xFFFFFFF0]  }
0x28: {  	s13 =	smul.u32 $0x8100, s30;
	s12 =	sshrl.u32 s12, $0x2;
	v0 =	vld [tilespmem:s16+$0x0]  }
0x29: {  	v1 =	vld [tilespmem:s16+$0xFFFFFFE0];
	s14 =	sor.u32 $0x4000, s12  }
0x2a: {  	s31 =	sshrl.u32 s13, $0x2;
	s13 =	sadd.s32 $0x0, s14  }
0x2b: {  	s15 =	simm.s32 $0x4;
	s16 =	sadd.s32 $0x40, s16;
	s12 =	sor.u32 $0x4000, s31;
	[tilespmem:s13+$0x1830 ss:$0x81] =	vst.msk $0xffff, v3  }
.LBB1_3:
0x2c: {  	v3 =	vld [tilespmem:s16+$0x10];
	p1 =	sne.s32 s15, $0x1FC;
	[tilespmem:s13+$0x810 ss:$0x81] =	vst.msk $0xffff, v2;
	s17 =	smov.u32 s15;
	s15 =	sadd.s32 $0x4, s15  }
.Ltmp3:
0x2d: {  	v2 =	vld [tilespmem:s16+$0xFFFFFFF0];
	[tilespmem:s13+$0x1020 ss:$0x81] =	vst.msk $0xffff, v0;
	(pc) =	sbr.rel @p1 .LBB1_3-.Ltmp3, $4  }
0x2e: {  	v0 =	vld [tilespmem:s16+$0x0];
	[tilespmem:s13+$0x0 ss:$0x81] =	vst.msk $0xffff, v1  }
0x2f: {  	s13 =	sshra.s32 s17, $0x2;
	v1 =	vld [tilespmem:s16+$0xFFFFFFE0]  }
0x30: {  	s13 =	sadd.s32 s13, s14  }
0x31: {  	s16 =	sadd.s32 $0x40, s16;
	[tilespmem:s13+$0x1830 ss:$0x81] =	vst.msk $0xffff, v3  }
.Ltmp4:
0x32: {  	_ = 	snop;
	(pc) =	sbr.rel .LBB1_4-.Ltmp4, $1  }
0x33: {  	_ =	sdelay $0x3  }
.LBB1_6:
0x34: {  	_ =	sfence.sel $0x180000  }
0x35: {  	s2 =	simm.s32 $0x1;
	[bflag:$0x0] =	sbarrier.arrive $0xFFFF  }
0x36: {  	s31 =	simm.s32 $0x2;
	[sflag:s2] =	ssyncpa.u1 $0x1  }
0x37: {  	[sflag:s31] =	ssyncpa.u1 $0x1  }
0x38: {  	p0 =	sne.s32 s0, $0x0;
	_ =	strace $0x9000004A  }
0x39: {  	s0 =	sadd.s32 @!p0 $0x100000, s1;
	[bflag:$0x2] =	sbarrier.arrive $0xFFFF  }
0x3a: {  	[sflag:s0] =	ssyncadd.tile.s32 @!p0 $0x1;
	_ =	shalt  }
.Lfunc_end1:
_tile_overlayer_lowered:
.L_overlay_start_2:
0x3b: {  	(tag) =	ssettag $0x2  }
0x3c: {  	s0 =	rddreg [dreg:$0x0];
	s2 =	stileid.u32  }
0x3d: {  	s1 =	rddreg [dreg:$0x1];
	p0 =	sne.s32 s2, $0x0  }
0x3e: {  	s3 =	rddreg [dreg:$0x2];
	[bflag:$0x3] =	sbarrier.arrive $0xFFFF;
	s2 =	simm.s32 @!p0 $0x1C01  }
0x3f: {  	[timem:s3], [sflag:s2] =	dma.local @!p0 [hbm:s0], s1  }
0x40: {  	s0 =	simm.s32 @!p0 $0x1  }
0x41: {  	_ =	swait.ge @!p0 [sflag:s0], s1  }
0x42: {  	s1 =	ssub.s32 @!p0 $0x0, s1;
	[sflag:s0] =	ssyncset.done @!p0 $0x0  }
0x43: {  	[sflag:s0] =	ssyncadd.s32 @!p0 s1  }
0x44: {  	[bflag:$0x3] =	sbarrier.arrive $0xFFFF  }
0x45: {  	_ =	shalt  }

</sc_bundles>
